<compile_context>
chip_gen: v7x
topology: tpu7x:2x2x1
jax: 0.10.2.dev20260603
libtpu: 0.0.44.dev20260713+nightly
codegen_flags: <defaults>
</compile_context>

<pallas_src>
import functools

import jax
import jax.numpy as jnp
from jax import lax
from jax.experimental import pallas as pl
from jax.experimental.pallas import tpu as pltpu
from jax.experimental.pallas import tpu_sc as plsc

NTILES = 16
NCORES = 2
CH = 128
DEGW = 128


def _row_split(n: int):
    rpt = ((n + NTILES - 1) // NTILES + 7) // 8 * 8
    nft = n // rpt
    last = n - nft * rpt
    return rpt, nft, last


def _degrees_kernel(n: int, e: int):
    nchunks = e // CH
    cpt = (pl.cdiv(nchunks, NTILES) + 7) // 8 * 8
    cft = nchunks // cpt
    crem = nchunks - cft * cpt
    W = 16
    rpt, nft, last = _row_split(n)
    mesh = plsc.VectorSubcoreMesh(core_axis_name="c", subcore_axis_name="s")

    @functools.partial(
        pl.kernel,
        out_type=jax.ShapeDtypeStruct((NCORES, n, DEGW), jnp.float32),
        mesh=mesh,
        scratch_types=[
            pltpu.VMEM((cpt, CH), jnp.int32),
            pltpu.VMEM((CH, DEGW), jnp.float32),
            pltpu.VMEM((CH, DEGW), jnp.float32),
            pltpu.SemaphoreType.DMA,
            pltpu.VMEM_SHARED((n, DEGW), jnp.float32),
        ],
    )
    def k(eidx_hbm, out_hbm, idx_v, ones_v, zero_v, sem, deg_sh):
        c = lax.axis_index("c")
        s = lax.axis_index("s")

        nloc = jnp.where(s < cft, cpt, jnp.where(s == cft, crem, 0))
        pltpu.sync_copy(eidx_hbm.at[pl.ds((c * NTILES + s) * cpt, cpt), :],
                        idx_v)

        @pl.loop(0, CH)
        def _fill(i):
            ones_v[i, :] = jnp.ones((DEGW,), jnp.float32)
            zero_v[i, :] = jnp.zeros((DEGW,), jnp.float32)

        base = s * rpt

        def _zero(cnt):
            nfull, rem = cnt // CH, cnt % CH

            @pl.loop(0, nfull)
            def _z(j):
                pltpu.sync_copy(zero_v,
                                deg_sh.at[pl.ds(base + j * CH, CH), :])

            if rem:
                pltpu.sync_copy(zero_v.at[pl.ds(0, rem), :],
                                deg_sh.at[pl.ds(base + nfull * CH, rem), :])

        pl.when(s < nft)(lambda: _zero(rpt))
        if last:
            pl.when(s == nft)(lambda: _zero(last))
        plsc.subcore_barrier()

        def _desc(j):
            return pltpu.make_async_copy(ones_v, deg_sh.at[idx_v.at[j]], sem)

        @pl.loop(0, cpt)
        def _chunks(j):
            @pl.when(j < nloc)
            def _():
                pltpu.async_copy(ones_v, deg_sh.at[idx_v.at[j]], sem,
                                 add=True)

            @pl.when((j >= W) & (j < nloc))
            def _():
                _desc(0).wait()

        for w in range(W):
            @pl.when(jnp.maximum(nloc - W, 0) + w < nloc)
            def _():
                _desc(0).wait()

        plsc.subcore_barrier()

        def _drain(cnt):
            pltpu.sync_copy(deg_sh.at[pl.ds(base, cnt), :],
                            out_hbm.at[c, pl.ds(base, cnt), :])

        pl.when(s < nft)(lambda: _drain(rpt))
        if last:
            pl.when(s == nft)(lambda: _drain(last))

    return k


def _aggregate_kernel(n: int, e: int, d: int):
    half = d // 2
    nchunks = e // CH
    cpt = (pl.cdiv(nchunks, NTILES) + 7) // 8 * 8
    cft = nchunks // cpt
    crem = nchunks - cft * cpt
    NBUF = 2
    PASSES = 2
    sp = cpt // PASSES
    assert cpt % (PASSES * NBUF) == 0
    rpt, nft, last = _row_split(n)
    mesh = plsc.VectorSubcoreMesh(core_axis_name="c", subcore_axis_name="s")

    @functools.partial(
        pl.kernel,
        out_type=jax.ShapeDtypeStruct((n, d), jnp.float32),
        mesh=mesh,
        scratch_types=[
            pltpu.VMEM((sp, CH), jnp.int32),
            pltpu.VMEM((sp, CH), jnp.int32),
            [pltpu.VMEM((CH, half), jnp.float32) for _ in range(NBUF)],
            [pltpu.SemaphoreType.DMA for _ in range(NBUF)],
            [pltpu.SemaphoreType.DMA for _ in range(NBUF)],
            pltpu.VMEM_SHARED((n, half), jnp.float32),
        ],
    )
    def k(h2_hbm, src_hbm, dst_hbm, out_hbm, gidx_v, dst_v, rows,
          gsem, ssem, agg_sh):
        c = lax.axis_index("c")
        s = lax.axis_index("s")

        nloc = jnp.where(s < cft, cpt, jnp.where(s == cft, crem, 0))
        cb = s * cpt

        @pl.loop(0, CH)
        def _zrows(i):
            for jj in range(half // 16):
                rows[0][i, pl.ds(jj * 16, 16)] = jnp.zeros((16,), jnp.float32)

        base = s * rpt

        def _zero(cnt):
            nfull, rem = cnt // CH, cnt % CH

            @pl.loop(0, nfull)
            def _z(j):
                pltpu.sync_copy(rows[0],
                                agg_sh.at[pl.ds(base + j * CH, CH), :])

            if rem:
                pltpu.sync_copy(rows[0].at[pl.ds(0, rem), :],
                                agg_sh.at[pl.ds(base + nfull * CH, rem), :])

        pl.when(s < nft)(lambda: _zero(rpt))
        if last:
            pl.when(s == nft)(lambda: _zero(last))
        plsc.subcore_barrier()

        def _gather(j, b):
            pltpu.async_copy(h2_hbm.at[gidx_v.at[j]], rows[b], gsem[b])

        def _scat_desc(j, b):
            return pltpu.make_async_copy(
                rows[b], agg_sh.at[dst_v.at[j]], ssem[b])

        for p in range(PASSES):
            np_ = jnp.clip(nloc - p * sp, 0, sp)

            pltpu.sync_copy(src_hbm.at[pl.ds(cb + p * sp, sp), :], gidx_v)
            pltpu.sync_copy(dst_hbm.at[pl.ds(cb + p * sp, sp), :], dst_v)

            @pl.loop(0, sp)
            def _gx(i):
                for jj in range(CH // 16):
                    v = gidx_v[i, pl.ds(jj * 16, 16)]
                    gidx_v[i, pl.ds(jj * 16, 16)] = v + v + c

            for b in range(NBUF):
                pl.when(b < np_)(functools.partial(_gather, b, b))

            @pl.loop(0, sp // NBUF)
            def _steady(o):
                for b in range(NBUF):
                    j = o * NBUF + b

                    @pl.when(j < np_)
                    def _():
                        pltpu.make_async_copy(h2_hbm.at[gidx_v.at[j]],
                                              rows[b], gsem[b]).wait()
                        pltpu.async_copy(rows[b], agg_sh.at[dst_v.at[j]],
                                         ssem[b], add=True)

                    nj = j + NBUF

                    @pl.when(nj < np_)
                    def _():
                        _scat_desc(j, b).wait()
                        _gather(nj, b)

            for b in range(NBUF):
                @pl.when(jnp.maximum(np_ - NBUF, 0) + b < np_)
                def _():
                    _scat_desc(0, b).wait()

        plsc.subcore_barrier()

        def _drain(cnt):
            pltpu.sync_copy(agg_sh.at[pl.ds(base, cnt), :],
                            out_hbm.at[pl.ds(base, cnt),
                                       pl.ds(c * half, half)])

        pl.when(s < nft)(lambda: _drain(rpt))
        if last:
            pl.when(s == nft)(lambda: _drain(last))

    return k


def _scale_kernel(n: int, d: int, bn: int):
    def body(x_ref, deg_ref, o_ref):
        norm = lax.rsqrt(jnp.maximum(deg_ref[...], 1.0))
        o_ref[...] = x_ref[...] * norm

    return pl.pallas_call(
        body,
        grid=(n // bn,),
        in_specs=[
            pl.BlockSpec((bn, d), lambda i: (i, 0)),
            pl.BlockSpec((bn, 1), lambda i: (i, 0)),
        ],
        out_specs=pl.BlockSpec((bn, d), lambda i: (i, 0)),
        out_shape=jax.ShapeDtypeStruct((n, d), jnp.float32),
    )


def _final_kernel(n: int, d: int, bn: int):
    def body(x_ref, agg_ref, deg_ref, ws_ref, wi_ref, o_ref):
        ni = lax.rsqrt(jnp.maximum(deg_ref[...], 1.0))
        a = agg_ref[...] * ni
        x = x_ref[...]
        o_ref[...] = (
            jnp.dot(a + x, ws_ref[...], preferred_element_type=jnp.float32)
            + jnp.dot(x * a, wi_ref[...], preferred_element_type=jnp.float32)
        )

    return pl.pallas_call(
        body,
        grid=(n // bn,),
        in_specs=[
            pl.BlockSpec((bn, d), lambda i: (i, 0)),
            pl.BlockSpec((bn, d), lambda i: (i, 0)),
            pl.BlockSpec((bn, 1), lambda i: (i, 0)),
            pl.BlockSpec((d, d), lambda i: (0, 0)),
            pl.BlockSpec((d, d), lambda i: (0, 0)),
        ],
        out_specs=pl.BlockSpec((bn, d), lambda i: (i, 0)),
        out_shape=jax.ShapeDtypeStruct((n, d), jnp.float32),
    )


def kernel(x, edge_index, W_self, W_inter):
    n, d = x.shape
    e = edge_index.shape[1]
    assert e % CH == 0 and n % NTILES == 0 and d % 32 == 0

    eidx = edge_index.astype(jnp.int32)
    nchunks = e // CH
    cpt = (-(-nchunks // NTILES) + 7) // 8 * 8
    pad_rows = NTILES * cpt - nchunks
    src2d = eidx[0].reshape(nchunks, CH)
    dst2d = eidx[1].reshape(nchunks, CH)
    if pad_rows:
        zpad = jnp.zeros((pad_rows, CH), jnp.int32)
        src2d = jnp.concatenate([src2d, zpad], axis=0)
        dst2d = jnp.concatenate([dst2d, zpad], axis=0)

    degs = _degrees_kernel(n, e)(jnp.concatenate([src2d, dst2d], axis=0))

    h = _scale_kernel(n, d, 1000)(x, degs[0, :, 0:1])
    h2 = h.reshape(2 * n, d // 2)

    agg = _aggregate_kernel(n, e, d)(h2, src2d, dst2d)

    return _final_kernel(n, d, 1000)(x, agg, degs[1, :, 0:1], W_self,
                                     W_inter)

# --- scband reference (transcript-rebuilt; emitter-appended) ---
"""Pipeline reference for scband-ngcfconv-56006373540485 (READ-ONLY COPY).

The authoritative reference and input builder live on the scoring server;
editing this copy changes nothing except your own understanding.
"""

import jax, jax.numpy as jnp
import numpy as np

N = 10000
E = 160000
D = 256

def setup_inputs(seed: int = 0) -> dict:
    key = jax.random.key(seed)
    k1, k2, k3, k4 = jax.random.split(key, 4)
    x = jax.random.normal(k1, (N, D), dtype=jnp.float32)
    edge_index = jax.random.randint(k2, (2, E), 0, N, dtype=jnp.int64)
    # xavier_uniform init for [D, D] weights: bound = sqrt(6/(fan_in+fan_out))
    bound = float(np.sqrt(6.0 / (D + D)))
    W_self = jax.random.uniform(k3, (D, D), dtype=jnp.float32, minval=-bound, maxval=bound)
    W_inter = jax.random.uniform(k4, (D, D), dtype=jnp.float32, minval=-bound, maxval=bound)
    return {"x": x, "edge_index": edge_index, "W_self": W_self, "W_inter": W_inter}

def reference(x, edge_index, W_self, W_inter):
    n = x.shape[0]
    src = edge_index[0]
    dst = edge_index[1]
    ones_e = jnp.ones((edge_index.shape[1],), dtype=jnp.float32)
    # out-degree normalization (degree of src nodes)
    out_deg = jax.ops.segment_sum(ones_e, src, num_segments=n)
    out_deg = jnp.maximum(out_deg, 1.0)
    norm_out = jnp.power(out_deg, -0.5)[:, None]
    h = x * norm_out  # normalized feature
    # message 1: copy_u('h') -> sum at dst  => h_self
    h_self = jax.ops.segment_sum(jnp.take(h, src, axis=0), dst, num_segments=n)
    # message 2: h[src] * h_original[dst] -> sum at dst => h_interaction
    m_inter = jnp.take(h, src, axis=0) * jnp.take(x, dst, axis=0)
    h_inter = jax.ops.segment_sum(m_inter, dst, num_segments=n)
    rst = jnp.matmul(h_self, W_self) + jnp.matmul(h_inter, W_inter)
    # in-degree normalization (degree of dst nodes)
    in_deg = jax.ops.segment_sum(ones_e, dst, num_segments=n)
    in_deg = jnp.maximum(in_deg, 1.0)
    norm_in = jnp.power(in_deg, -0.5)[:, None]
    rst = rst * norm_in
    rst = rst + jnp.matmul(x, W_self)
    return rst

if __name__ == "__main__":
    import jax
    _d = setup_inputs()
    print(jax.jit(kernel)(*tuple(_d.values())))

</pallas_src>

<mosaic_0001>
#map = affine_map<(d0, d1) -> (0, 0)>
#map1 = affine_map<(d0, d1) -> (0, 0, 0)>
module attributes {stable_mosaic.version = 14 : i64} {
  func.func @k(%arg0: i32, %arg1: i32, %arg2: memref<2560x128xi32, #tpu.memory_space<hbm>>, %arg3: memref<2x10000x128xf32, #tpu.memory_space<hbm>>, %arg4: memref<80x128xi32, #tpu.memory_space<vmem>>, %arg5: memref<128x128xf32, #tpu.memory_space<vmem>>, %arg6: memref<128x128xf32, #tpu.memory_space<vmem>>, %arg7: memref<!tpu.dma_semaphore, #tpu.memory_space<semaphore_mem>>, %arg8: memref<10000x128xf32, #tpu.memory_space<vmem_shared>>) attributes {dimension_semantics = [#tpu.dimension_semantics<core_parallel>, #tpu.dimension_semantics<subcore_parallel>], iteration_bounds = array<i64: 2, 16>, scalar_prefetch = 0 : i64, scratch_operands = 5 : i64, tpu.core_type = #tpu.core_type<sc_vector_subcore>, window_params = [{transform_indices = #map}, {transform_indices = #map1}]} {
    %lt3A = arith.constant 15 : i32
    %lt3A_0 = arith.cmpi slt, %arg1, %lt3A : i32
    %eq3A = arith.constant 15 : i32
    %eq3A_1 = arith.cmpi eq, %arg1, %eq3A : i32
    %jit3A = arith.constant 50 : i32
    %jit3A_2 = arith.constant 0 : i32
    %select_n3A = arith.select %eq3A_1, %jit3A, %jit3A_2 : i32
    %jit3A_3 = arith.constant 80 : i32
    %select_n3A_4 = arith.select %lt3A_0, %jit3A_3, %select_n3A : i32
    %mul3A = arith.constant 16 : i32
    %mul3A_5 = arith.muli %arg0, %mul3A : i32
    %add3A = arith.addi %mul3A_5, %arg1 : i32
    %mul3A_6 = arith.constant 80 : i32
    %mul3A_7 = arith.muli %add3A, %mul3A_6 : i32
    "tpu.region"() ({
      %run_scoped3A = tpu.sem_alloc : memref<!tpu.dma_semaphore, #tpu.memory_space<semaphore_mem>>
      %dma_start3A = arith.constant 0 : i32
      %dma_start3A_196 = tpu.memref_slice %arg2[%mul3A_7, %dma_start3A] : memref<2560x128xi32, #tpu.memory_space<hbm>> -> memref<80x128xi32, #tpu.memory_space<hbm>>
      %dma_start3A_197 = arith.constant 0 : i32
      %dma_start3A_198 = tpu.memref_slice %arg2[%mul3A_7, %dma_start3A_197] : memref<2560x128xi32, #tpu.memory_space<hbm>> -> memref<80x128xi32, #tpu.memory_space<hbm>>
      tpu.enqueue_dma source(%dma_start3A_198 : memref<80x128xi32, #tpu.memory_space<hbm>>) target(%arg4 : memref<80x128xi32, #tpu.memory_space<vmem>>) target_semaphore(%run_scoped3A : memref<!tpu.dma_semaphore, #tpu.memory_space<semaphore_mem>>)
      %dma_wait3A = arith.constant 0 : i32
      %dma_wait3A_199 = tpu.memref_slice %arg2[%mul3A_7, %dma_wait3A] : memref<2560x128xi32, #tpu.memory_space<hbm>> -> memref<80x128xi32, #tpu.memory_space<hbm>>
      %dma_wait3A_200 = arith.constant 0 : i32
      %dma_wait3A_201 = tpu.memref_slice %arg2[%mul3A_7, %dma_wait3A_200] : memref<2560x128xi32, #tpu.memory_space<hbm>> -> memref<80x128xi32, #tpu.memory_space<hbm>>
      tpu.wait_dma2 semaphore(%run_scoped3A : memref<!tpu.dma_semaphore, #tpu.memory_space<semaphore_mem>>) src(%dma_wait3A_201 : memref<80x128xi32, #tpu.memory_space<hbm>>) dst(%arg4 : memref<80x128xi32, #tpu.memory_space<vmem>>)
      tpu.yield
    }) : () -> ()
    %scan3A = arith.constant 0 : i32
    %scan3A_8 = arith.constant 128 : i32
    %scan3A_9 = arith.addi %scan3A, %scan3A_8 : i32
    %scan3A_10 = arith.constant 1 : i32
    scf.for %scan3A_196 = %scan3A to %scan3A_9 step %scan3A_10  : i32 {
      %mul3A_197 = arith.constant 1 : i32
      %mul3A_198 = arith.muli %scan3A_196, %mul3A_197 : i32
      %add3A_199 = arith.constant 0 : i32
      %add3A_200 = arith.addi %add3A_199, %mul3A_198 : i32
      %broadcast_in_dim3A = arith.constant 1.000000e+00 : f32
      %broadcast_in_dim3A_201 = vector.broadcast %broadcast_in_dim3A : f32 to vector<128xf32>
      %swap3A = arith.index_cast %add3A_200 : i32 to index
      %swap3A_202 = arith.constant 0 : index
      %swap3A_203 = tpu.vector_load %arg5[%swap3A, %swap3A_202] {strides = array<i32>} : memref<128x128xf32, #tpu.memory_space<vmem>>, vector<1x128xf32>,
      %swap3A_204 = vector.shape_cast %swap3A_203 : vector<1x128xf32> to vector<128xf32>
      %swap3A_205 = vector.shape_cast %broadcast_in_dim3A_201 : vector<128xf32> to vector<1x128xf32>
      tpu.vector_store %arg5[%swap3A, %swap3A_202], %swap3A_205 {strides = array<i32>} : memref<128x128xf32, #tpu.memory_space<vmem>>, vector<1x128xf32>,
      %broadcast_in_dim3A_206 = arith.constant 0.000000e+00 : f32
      %broadcast_in_dim3A_207 = vector.broadcast %broadcast_in_dim3A_206 : f32 to vector<128xf32>
      %swap3A_208 = arith.index_cast %add3A_200 : i32 to index
      %swap3A_209 = arith.constant 0 : index
      %swap3A_210 = tpu.vector_load %arg6[%swap3A_208, %swap3A_209] {strides = array<i32>} : memref<128x128xf32, #tpu.memory_space<vmem>>, vector<1x128xf32>,
      %swap3A_211 = vector.shape_cast %swap3A_210 : vector<1x128xf32> to vector<128xf32>
      %swap3A_212 = vector.shape_cast %broadcast_in_dim3A_207 : vector<128xf32> to vector<1x128xf32>
      tpu.vector_store %arg6[%swap3A_208, %swap3A_209], %swap3A_212 {strides = array<i32>} : memref<128x128xf32, #tpu.memory_space<vmem>>, vector<1x128xf32>,
    }
    %scan3A_11 = arith.constant 128 : i32
    %mul3A_12 = arith.constant 632 : i32
    %mul3A_13 = arith.muli %arg1, %mul3A_12 : i32
    %lt3A_14 = arith.constant 15 : i32
    %lt3A_15 = arith.cmpi slt, %arg1, %lt3A_14 : i32
    %convert_element_type3A = arith.extui %lt3A_15 : i1 to i32
    %cond3A = arith.constant 0 : i32
    %cond3A_16 = arith.cmpi ne, %convert_element_type3A, %cond3A : i32
    scf.if %cond3A_16 {
      %scan3A_196 = arith.constant 0 : i32
      %scan3A_197 = arith.constant 4 : i32
      %scan3A_198 = arith.addi %scan3A_196, %scan3A_197 : i32
      %scan3A_199 = arith.constant 1 : i32
      scf.for %scan3A_203 = %scan3A_196 to %scan3A_198 step %scan3A_199  : i32 {
        %mul3A_204 = arith.constant 1 : i32
        %mul3A_205 = arith.muli %scan3A_203, %mul3A_204 : i32
        %add3A_206 = arith.constant 0 : i32
        %add3A_207 = arith.addi %add3A_206, %mul3A_205 : i32
        %mul3A_208 = arith.constant 128 : i32
        %mul3A_209 = arith.muli %add3A_207, %mul3A_208 : i32
        %add3A_210 = arith.addi %mul3A_13, %mul3A_209 : i32
        "tpu.region"() ({
          %run_scoped3A = tpu.sem_alloc : memref<!tpu.dma_semaphore, #tpu.memory_space<semaphore_mem>>
          %dma_start3A = arith.constant 0 : i32
          %dma_start3A_211 = tpu.memref_slice %arg8[%add3A_210, %dma_start3A] : memref<10000x128xf32, #tpu.memory_space<vmem_shared>> -> memref<128x128xf32, #tpu.memory_space<vmem_shared>>
          %dma_start3A_212 = arith.constant 0 : i32
          %dma_start3A_213 = tpu.memref_slice %arg8[%add3A_210, %dma_start3A_212] : memref<10000x128xf32, #tpu.memory_space<vmem_shared>> -> memref<128x128xf32, #tpu.memory_space<vmem_shared>>
          tpu.enqueue_dma source(%arg6 : memref<128x128xf32, #tpu.memory_space<vmem>>) target(%dma_start3A_213 : memref<128x128xf32, #tpu.memory_space<vmem_shared>>) target_semaphore(%run_scoped3A : memref<!tpu.dma_semaphore, #tpu.memory_space<semaphore_mem>>)
          %dma_wait3A = arith.constant 0 : i32
          %dma_wait3A_214 = tpu.memref_slice %arg8[%add3A_210, %dma_wait3A] : memref<10000x128xf32, #tpu.memory_space<vmem_shared>> -> memref<128x128xf32, #tpu.memory_space<vmem_shared>>
          %dma_wait3A_215 = arith.constant 0 : i32
          %dma_wait3A_216 = tpu.memref_slice %arg8[%add3A_210, %dma_wait3A_215] : memref<10000x128xf32, #tpu.memory_space<vmem_shared>> -> memref<128x128xf32, #tpu.memory_space<vmem_shared>>
          tpu.wait_dma2 semaphore(%run_scoped3A : memref<!tpu.dma_semaphore, #tpu.memory_space<semaphore_mem>>) src(%arg6 : memref<128x128xf32, #tpu.memory_space<vmem>>) dst(%dma_wait3A_216 : memref<128x128xf32, #tpu.memory_space<vmem_shared>>)
          tpu.yield
        }) : () -> ()
      }
      %scan3A_200 = arith.constant 4 : i32
      %add3A_201 = arith.constant 512 : i32
      %add3A_202 = arith.addi %mul3A_13, %add3A_201 : i32
      "tpu.region"() ({
        %run_scoped3A = tpu.sem_alloc : memref<!tpu.dma_semaphore, #tpu.memory_space<semaphore_mem>>
        %dma_start3A = arith.constant 0 : i32
        %dma_start3A_203 = arith.constant 0 : i32
        %dma_start3A_204 = tpu.memref_slice %arg6[%dma_start3A, %dma_start3A_203] : memref<128x128xf32, #tpu.memory_space<vmem>> -> memref<120x128xf32, #tpu.memory_space<vmem>>
        %dma_start3A_205 = arith.constant 0 : i32
        %dma_start3A_206 = tpu.memref_slice %arg8[%add3A_202, %dma_start3A_205] : memref<10000x128xf32, #tpu.memory_space<vmem_shared>> -> memref<120x128xf32, #tpu.memory_space<vmem_shared>>
        %dma_start3A_207 = arith.constant 0 : i32
        %dma_start3A_208 = tpu.memref_slice %arg8[%add3A_202, %dma_start3A_207] : memref<10000x128xf32, #tpu.memory_space<vmem_shared>> -> memref<120x128xf32, #tpu.memory_space<vmem_shared>>
        %dma_start3A_209 = arith.constant 0 : i32
        %dma_start3A_210 = arith.constant 0 : i32
        %dma_start3A_211 = tpu.memref_slice %arg6[%dma_start3A_209, %dma_start3A_210] : memref<128x128xf32, #tpu.memory_space<vmem>> -> memref<120x128xf32, #tpu.memory_space<vmem>>
        tpu.enqueue_dma source(%dma_start3A_211 : memref<120x128xf32, #tpu.memory_space<vmem>>) target(%dma_start3A_208 : memref<120x128xf32, #tpu.memory_space<vmem_shared>>) target_semaphore(%run_scoped3A : memref<!tpu.dma_semaphore, #tpu.memory_space<semaphore_mem>>)
        %dma_wait3A = arith.constant 0 : i32
        %dma_wait3A_212 = arith.constant 0 : i32
        %dma_wait3A_213 = tpu.memref_slice %arg6[%dma_wait3A, %dma_wait3A_212] : memref<128x128xf32, #tpu.memory_space<vmem>> -> memref<120x128xf32, #tpu.memory_space<vmem>>
        %dma_wait3A_214 = arith.constant 0 : i32
        %dma_wait3A_215 = tpu.memref_slice %arg8[%add3A_202, %dma_wait3A_214] : memref<10000x128xf32, #tpu.memory_space<vmem_shared>> -> memref<120x128xf32, #tpu.memory_space<vmem_shared>>
        %dma_wait3A_216 = arith.constant 0 : i32
        %dma_wait3A_217 = tpu.memref_slice %arg8[%add3A_202, %dma_wait3A_216] : memref<10000x128xf32, #tpu.memory_space<vmem_shared>> -> memref<120x128xf32, #tpu.memory_space<vmem_shared>>
        %dma_wait3A_218 = arith.constant 0 : i32
        %dma_wait3A_219 = arith.constant 0 : i32
        %dma_wait3A_220 = tpu.memref_slice %arg6[%dma_wait3A_218, %dma_wait3A_219] : memref<128x128xf32, #tpu.memory_space<vmem>> -> memref<120x128xf32, #tpu.memory_space<vmem>>
        tpu.wait_dma2 semaphore(%run_scoped3A : memref<!tpu.dma_semaphore, #tpu.memory_space<semaphore_mem>>) src(%dma_wait3A_220 : memref<120x128xf32, #tpu.memory_space<vmem>>) dst(%dma_wait3A_217 : memref<120x128xf32, #tpu.memory_space<vmem_shared>>)
        tpu.yield
      }) : () -> ()
    } else {
    }
    %eq3A_17 = arith.constant 15 : i32
    %eq3A_18 = arith.cmpi eq, %arg1, %eq3A_17 : i32
    %convert_element_type3A_19 = arith.extui %eq3A_18 : i1 to i32
    %cond3A_20 = arith.constant 0 : i32
    %cond3A_21 = arith.cmpi ne, %convert_element_type3A_19, %cond3A_20 : i32
    scf.if %cond3A_21 {
      %scan3A_196 = arith.constant 0 : i32
      %scan3A_197 = arith.constant 4 : i32
      %scan3A_198 = arith.addi %scan3A_196, %scan3A_197 : i32
      %scan3A_199 = arith.constant 1 : i32
      scf.for %scan3A_203 = %scan3A_196 to %scan3A_198 step %scan3A_199  : i32 {
        %mul3A_204 = arith.constant 1 : i32
        %mul3A_205 = arith.muli %scan3A_203, %mul3A_204 : i32
        %add3A_206 = arith.constant 0 : i32
        %add3A_207 = arith.addi %add3A_206, %mul3A_205 : i32
        %mul3A_208 = arith.constant 128 : i32
        %mul3A_209 = arith.muli %add3A_207, %mul3A_208 : i32
        %add3A_210 = arith.addi %mul3A_13, %mul3A_209 : i32
        "tpu.region"() ({
          %run_scoped3A = tpu.sem_alloc : memref<!tpu.dma_semaphore, #tpu.memory_space<semaphore_mem>>
          %dma_start3A = arith.constant 0 : i32
          %dma_start3A_211 = tpu.memref_slice %arg8[%add3A_210, %dma_start3A] : memref<10000x128xf32, #tpu.memory_space<vmem_shared>> -> memref<128x128xf32, #tpu.memory_space<vmem_shared>>
          %dma_start3A_212 = arith.constant 0 : i32
          %dma_start3A_213 = tpu.memref_slice %arg8[%add3A_210, %dma_start3A_212] : memref<10000x128xf32, #tpu.memory_space<vmem_shared>> -> memref<128x128xf32, #tpu.memory_space<vmem_shared>>
          tpu.enqueue_dma source(%arg6 : memref<128x128xf32, #tpu.memory_space<vmem>>) target(%dma_start3A_213 : memref<128x128xf32, #tpu.memory_space<vmem_shared>>) target_semaphore(%run_scoped3A : memref<!tpu.dma_semaphore, #tpu.memory_space<semaphore_mem>>)
          %dma_wait3A = arith.constant 0 : i32
          %dma_wait3A_214 = tpu.memref_slice %arg8[%add3A_210, %dma_wait3A] : memref<10000x128xf32, #tpu.memory_space<vmem_shared>> -> memref<128x128xf32, #tpu.memory_space<vmem_shared>>
          %dma_wait3A_215 = arith.constant 0 : i32
          %dma_wait3A_216 = tpu.memref_slice %arg8[%add3A_210, %dma_wait3A_215] : memref<10000x128xf32, #tpu.memory_space<vmem_shared>> -> memref<128x128xf32, #tpu.memory_space<vmem_shared>>
          tpu.wait_dma2 semaphore(%run_scoped3A : memref<!tpu.dma_semaphore, #tpu.memory_space<semaphore_mem>>) src(%arg6 : memref<128x128xf32, #tpu.memory_space<vmem>>) dst(%dma_wait3A_216 : memref<128x128xf32, #tpu.memory_space<vmem_shared>>)
          tpu.yield
        }) : () -> ()
      }
      %scan3A_200 = arith.constant 4 : i32
      %add3A_201 = arith.constant 512 : i32
      %add3A_202 = arith.addi %mul3A_13, %add3A_201 : i32
      "tpu.region"() ({
        %run_scoped3A = tpu.sem_alloc : memref<!tpu.dma_semaphore, #tpu.memory_space<semaphore_mem>>
        %dma_start3A = arith.constant 0 : i32
        %dma_start3A_203 = arith.constant 0 : i32
        %dma_start3A_204 = tpu.memref_slice %arg6[%dma_start3A, %dma_start3A_203] : memref<128x128xf32, #tpu.memory_space<vmem>> -> memref<8x128xf32, #tpu.memory_space<vmem>>
        %dma_start3A_205 = arith.constant 0 : i32
        %dma_start3A_206 = tpu.memref_slice %arg8[%add3A_202, %dma_start3A_205] : memref<10000x128xf32, #tpu.memory_space<vmem_shared>> -> memref<8x128xf32, #tpu.memory_space<vmem_shared>>
        %dma_start3A_207 = arith.constant 0 : i32
        %dma_start3A_208 = tpu.memref_slice %arg8[%add3A_202, %dma_start3A_207] : memref<10000x128xf32, #tpu.memory_space<vmem_shared>> -> memref<8x128xf32, #tpu.memory_space<vmem_shared>>
        %dma_start3A_209 = arith.constant 0 : i32
        %dma_start3A_210 = arith.constant 0 : i32
        %dma_start3A_211 = tpu.memref_slice %arg6[%dma_start3A_209, %dma_start3A_210] : memref<128x128xf32, #tpu.memory_space<vmem>> -> memref<8x128xf32, #tpu.memory_space<vmem>>
        tpu.enqueue_dma source(%dma_start3A_211 : memref<8x128xf32, #tpu.memory_space<vmem>>) target(%dma_start3A_208 : memref<8x128xf32, #tpu.memory_space<vmem_shared>>) target_semaphore(%run_scoped3A : memref<!tpu.dma_semaphore, #tpu.memory_space<semaphore_mem>>)
        %dma_wait3A = arith.constant 0 : i32
        %dma_wait3A_212 = arith.constant 0 : i32
        %dma_wait3A_213 = tpu.memref_slice %arg6[%dma_wait3A, %dma_wait3A_212] : memref<128x128xf32, #tpu.memory_space<vmem>> -> memref<8x128xf32, #tpu.memory_space<vmem>>
        %dma_wait3A_214 = arith.constant 0 : i32
        %dma_wait3A_215 = tpu.memref_slice %arg8[%add3A_202, %dma_wait3A_214] : memref<10000x128xf32, #tpu.memory_space<vmem_shared>> -> memref<8x128xf32, #tpu.memory_space<vmem_shared>>
        %dma_wait3A_216 = arith.constant 0 : i32
        %dma_wait3A_217 = tpu.memref_slice %arg8[%add3A_202, %dma_wait3A_216] : memref<10000x128xf32, #tpu.memory_space<vmem_shared>> -> memref<8x128xf32, #tpu.memory_space<vmem_shared>>
        %dma_wait3A_218 = arith.constant 0 : i32
        %dma_wait3A_219 = arith.constant 0 : i32
        %dma_wait3A_220 = tpu.memref_slice %arg6[%dma_wait3A_218, %dma_wait3A_219] : memref<128x128xf32, #tpu.memory_space<vmem>> -> memref<8x128xf32, #tpu.memory_space<vmem>>
        tpu.wait_dma2 semaphore(%run_scoped3A : memref<!tpu.dma_semaphore, #tpu.memory_space<semaphore_mem>>) src(%dma_wait3A_220 : memref<8x128xf32, #tpu.memory_space<vmem>>) dst(%dma_wait3A_217 : memref<8x128xf32, #tpu.memory_space<vmem_shared>>)
        tpu.yield
      }) : () -> ()
    } else {
    }
    %barrier3A = arith.constant 0 : index
    tpu.barrier barrier_id(%barrier3A)
    %scan3A_22 = arith.constant 0 : i32
    %scan3A_23 = arith.constant 80 : i32
    %scan3A_24 = arith.addi %scan3A_22, %scan3A_23 : i32
    %scan3A_25 = arith.constant 1 : i32
    scf.for %scan3A_196 = %scan3A_22 to %scan3A_24 step %scan3A_25  : i32 {
      %mul3A_197 = arith.constant 1 : i32
      %mul3A_198 = arith.muli %scan3A_196, %mul3A_197 : i32
      %add3A_199 = arith.constant 0 : i32
      %add3A_200 = arith.addi %add3A_199, %mul3A_198 : i32
      %lt3A_201 = arith.cmpi slt, %add3A_200, %select_n3A_4 : i32
      %convert_element_type3A_202 = arith.extui %lt3A_201 : i1 to i32
      %cond3A_203 = arith.constant 0 : i32
      %cond3A_204 = arith.cmpi ne, %convert_element_type3A_202, %cond3A_203 : i32
      scf.if %cond3A_204 {
        %dma_start3A = arith.constant 0 : i32
        %dma_start3A_210 = tpu.memref_slice %arg4[%add3A_200, %dma_start3A] : memref<80x128xi32, #tpu.memory_space<vmem>> -> memref<1x128xi32, #tpu.memory_space<vmem>>
        %dma_start3A_211 = tpu.memref_squeeze %dma_start3A_210 : memref<1x128xi32, #tpu.memory_space<vmem>> -> memref<128xi32, #tpu.memory_space<vmem>>
        %dma_start3A_212 = arith.constant 0 : i32
        %dma_start3A_213 = arith.constant 0 : i32
        %dma_start3A_214 = tpu.memref_slice %arg8[%dma_start3A_212, %dma_start3A_213] : memref<10000x128xf32, #tpu.memory_space<vmem_shared>> -> memref<10000x128xf32, #tpu.memory_space<vmem_shared>>
        tpu.enqueue_indirect_dma source(%arg5 : memref<128x128xf32, #tpu.memory_space<vmem>>) target(%dma_start3A_214 : memref<10000x128xf32, #tpu.memory_space<vmem_shared>>) offsets(%dma_start3A_211 : memref<128xi32, #tpu.memory_space<vmem>>) semaphore(%arg7 : memref<!tpu.dma_semaphore, #tpu.memory_space<semaphore_mem>>) {add = true}
      } else {
      }
      %ge3A = arith.constant 16 : i32
      %ge3A_205 = arith.cmpi sge, %add3A_200, %ge3A : i32
      %lt3A_206 = arith.cmpi slt, %add3A_200, %select_n3A_4 : i32
      %and3A = arith.andi %ge3A_205, %lt3A_206 : i1
      %convert_element_type3A_207 = arith.extui %and3A : i1 to i32
      %cond3A_208 = arith.constant 0 : i32
      %cond3A_209 = arith.cmpi ne, %convert_element_type3A_207, %cond3A_208 : i32
      scf.if %cond3A_209 {
        %dma_wait3A = arith.constant 0 : i32
        %dma_wait3A_210 = arith.constant 0 : i32
        %dma_wait3A_211 = tpu.memref_slice %arg4[%dma_wait3A, %dma_wait3A_210] : memref<80x128xi32, #tpu.memory_space<vmem>> -> memref<1x128xi32, #tpu.memory_space<vmem>>
        %dma_wait3A_212 = tpu.memref_squeeze %dma_wait3A_211 : memref<1x128xi32, #tpu.memory_space<vmem>> -> memref<128xi32, #tpu.memory_space<vmem>>
        %dma_wait3A_213 = arith.constant 0 : i32
        %dma_wait3A_214 = arith.constant 0 : i32
        %dma_wait3A_215 = tpu.memref_slice %arg8[%dma_wait3A_213, %dma_wait3A_214] : memref<10000x128xf32, #tpu.memory_space<vmem_shared>> -> memref<10000x128xf32, #tpu.memory_space<vmem_shared>>
        tpu.wait_indirect_dma semaphore(%arg7 : memref<!tpu.dma_semaphore, #tpu.memory_space<semaphore_mem>>) src(%arg5 : memref<128x128xf32, #tpu.memory_space<vmem>>) dst(%dma_wait3A_215 : memref<10000x128xf32, #tpu.memory_space<vmem_shared>>)
      } else {
      }
    }
    %scan3A_26 = arith.constant 80 : i32
    %sub3A = arith.constant 16 : i32
    %sub3A_27 = arith.subi %select_n3A_4, %sub3A : i32
    %max3A = arith.constant 0 : i32
    %max3A_28 = arith.maxsi %sub3A_27, %max3A : i32
    %add3A_29 = arith.constant 0 : i32
    %add3A_30 = arith.addi %max3A_28, %add3A_29 : i32
    %lt3A_31 = arith.cmpi slt, %add3A_30, %select_n3A_4 : i32
    %convert_element_type3A_32 = arith.extui %lt3A_31 : i1 to i32
    %cond3A_33 = arith.constant 0 : i32
    %cond3A_34 = arith.cmpi ne, %convert_element_type3A_32, %cond3A_33 : i32
    scf.if %cond3A_34 {
      %dma_wait3A = arith.constant 0 : i32
      %dma_wait3A_196 = arith.constant 0 : i32
      %dma_wait3A_197 = tpu.memref_slice %arg4[%dma_wait3A, %dma_wait3A_196] : memref<80x128xi32, #tpu.memory_space<vmem>> -> memref<1x128xi32, #tpu.memory_space<vmem>>
      %dma_wait3A_198 = tpu.memref_squeeze %dma_wait3A_197 : memref<1x128xi32, #tpu.memory_space<vmem>> -> memref<128xi32, #tpu.memory_space<vmem>>
      %dma_wait3A_199 = arith.constant 0 : i32
      %dma_wait3A_200 = arith.constant 0 : i32
      %dma_wait3A_201 = tpu.memref_slice %arg8[%dma_wait3A_199, %dma_wait3A_200] : memref<10000x128xf32, #tpu.memory_space<vmem_shared>> -> memref<10000x128xf32, #tpu.memory_space<vmem_shared>>
      tpu.wait_indirect_dma semaphore(%arg7 : memref<!tpu.dma_semaphore, #tpu.memory_space<semaphore_mem>>) src(%arg5 : memref<128x128xf32, #tpu.memory_space<vmem>>) dst(%dma_wait3A_201 : memref<10000x128xf32, #tpu.memory_space<vmem_shared>>)
    } else {
    }
    %sub3A_35 = arith.constant 16 : i32
    %sub3A_36 = arith.subi %select_n3A_4, %sub3A_35 : i32
    %max3A_37 = arith.constant 0 : i32
    %max3A_38 = arith.maxsi %sub3A_36, %max3A_37 : i32
    %add3A_39 = arith.constant 1 : i32
    %add3A_40 = arith.addi %max3A_38, %add3A_39 : i32
    %lt3A_41 = arith.cmpi slt, %add3A_40, %select_n3A_4 : i32
    %convert_element_type3A_42 = arith.extui %lt3A_41 : i1 to i32
    %cond3A_43 = arith.constant 0 : i32
    %cond3A_44 = arith.cmpi ne, %convert_element_type3A_42, %cond3A_43 : i32
    scf.if %cond3A_44 {
      %dma_wait3A = arith.constant 0 : i32
      %dma_wait3A_196 = arith.constant 0 : i32
      %dma_wait3A_197 = tpu.memref_slice %arg4[%dma_wait3A, %dma_wait3A_196] : memref<80x128xi32, #tpu.memory_space<vmem>> -> memref<1x128xi32, #tpu.memory_space<vmem>>
      %dma_wait3A_198 = tpu.memref_squeeze %dma_wait3A_197 : memref<1x128xi32, #tpu.memory_space<vmem>> -> memref<128xi32, #tpu.memory_space<vmem>>
      %dma_wait3A_199 = arith.constant 0 : i32
      %dma_wait3A_200 = arith.constant 0 : i32
      %dma_wait3A_201 = tpu.memref_slice %arg8[%dma_wait3A_199, %dma_wait3A_200] : memref<10000x128xf32, #tpu.memory_space<vmem_shared>> -> memref<10000x128xf32, #tpu.memory_space<vmem_shared>>
      tpu.wait_indirect_dma semaphore(%arg7 : memref<!tpu.dma_semaphore, #tpu.memory_space<semaphore_mem>>) src(%arg5 : memref<128x128xf32, #tpu.memory_space<vmem>>) dst(%dma_wait3A_201 : memref<10000x128xf32, #tpu.memory_space<vmem_shared>>)
    } else {
    }
    %sub3A_45 = arith.constant 16 : i32
    %sub3A_46 = arith.subi %select_n3A_4, %sub3A_45 : i32
    %max3A_47 = arith.constant 0 : i32
    %max3A_48 = arith.maxsi %sub3A_46, %max3A_47 : i32
    %add3A_49 = arith.constant 2 : i32
    %add3A_50 = arith.addi %max3A_48, %add3A_49 : i32
    %lt3A_51 = arith.cmpi slt, %add3A_50, %select_n3A_4 : i32
    %convert_element_type3A_52 = arith.extui %lt3A_51 : i1 to i32
    %cond3A_53 = arith.constant 0 : i32
    %cond3A_54 = arith.cmpi ne, %convert_element_type3A_52, %cond3A_53 : i32
    scf.if %cond3A_54 {
      %dma_wait3A = arith.constant 0 : i32
      %dma_wait3A_196 = arith.constant 0 : i32
      %dma_wait3A_197 = tpu.memref_slice %arg4[%dma_wait3A, %dma_wait3A_196] : memref<80x128xi32, #tpu.memory_space<vmem>> -> memref<1x128xi32, #tpu.memory_space<vmem>>
      %dma_wait3A_198 = tpu.memref_squeeze %dma_wait3A_197 : memref<1x128xi32, #tpu.memory_space<vmem>> -> memref<128xi32, #tpu.memory_space<vmem>>
      %dma_wait3A_199 = arith.constant 0 : i32
      %dma_wait3A_200 = arith.constant 0 : i32
      %dma_wait3A_201 = tpu.memref_slice %arg8[%dma_wait3A_199, %dma_wait3A_200] : memref<10000x128xf32, #tpu.memory_space<vmem_shared>> -> memref<10000x128xf32, #tpu.memory_space<vmem_shared>>
      tpu.wait_indirect_dma semaphore(%arg7 : memref<!tpu.dma_semaphore, #tpu.memory_space<semaphore_mem>>) src(%arg5 : memref<128x128xf32, #tpu.memory_space<vmem>>) dst(%dma_wait3A_201 : memref<10000x128xf32, #tpu.memory_space<vmem_shared>>)
    } else {
    }
    %sub3A_55 = arith.constant 16 : i32
    %sub3A_56 = arith.subi %select_n3A_4, %sub3A_55 : i32
    %max3A_57 = arith.constant 0 : i32
    %max3A_58 = arith.maxsi %sub3A_56, %max3A_57 : i32
    %add3A_59 = arith.constant 3 : i32
    %add3A_60 = arith.addi %max3A_58, %add3A_59 : i32
    %lt3A_61 = arith.cmpi slt, %add3A_60, %select_n3A_4 : i32
    %convert_element_type3A_62 = arith.extui %lt3A_61 : i1 to i32
    %cond3A_63 = arith.constant 0 : i32
    %cond3A_64 = arith.cmpi ne, %convert_element_type3A_62, %cond3A_63 : i32
    scf.if %cond3A_64 {
      %dma_wait3A = arith.constant 0 : i32
      %dma_wait3A_196 = arith.constant 0 : i32
      %dma_wait3A_197 = tpu.memref_slice %arg4[%dma_wait3A, %dma_wait3A_196] : memref<80x128xi32, #tpu.memory_space<vmem>> -> memref<1x128xi32, #tpu.memory_space<vmem>>
      %dma_wait3A_198 = tpu.memref_squeeze %dma_wait3A_197 : memref<1x128xi32, #tpu.memory_space<vmem>> -> memref<128xi32, #tpu.memory_space<vmem>>
      %dma_wait3A_199 = arith.constant 0 : i32
      %dma_wait3A_200 = arith.constant 0 : i32
      %dma_wait3A_201 = tpu.memref_slice %arg8[%dma_wait3A_199, %dma_wait3A_200] : memref<10000x128xf32, #tpu.memory_space<vmem_shared>> -> memref<10000x128xf32, #tpu.memory_space<vmem_shared>>
      tpu.wait_indirect_dma semaphore(%arg7 : memref<!tpu.dma_semaphore, #tpu.memory_space<semaphore_mem>>) src(%arg5 : memref<128x128xf32, #tpu.memory_space<vmem>>) dst(%dma_wait3A_201 : memref<10000x128xf32, #tpu.memory_space<vmem_shared>>)
    } else {
    }
    %sub3A_65 = arith.constant 16 : i32
    %sub3A_66 = arith.subi %select_n3A_4, %sub3A_65 : i32
    %max3A_67 = arith.constant 0 : i32
    %max3A_68 = arith.maxsi %sub3A_66, %max3A_67 : i32
    %add3A_69 = arith.constant 4 : i32
    %add3A_70 = arith.addi %max3A_68, %add3A_69 : i32
    %lt3A_71 = arith.cmpi slt, %add3A_70, %select_n3A_4 : i32
    %convert_element_type3A_72 = arith.extui %lt3A_71 : i1 to i32
    %cond3A_73 = arith.constant 0 : i32
    %cond3A_74 = arith.cmpi ne, %convert_element_type3A_72, %cond3A_73 : i32
    scf.if %cond3A_74 {
      %dma_wait3A = arith.constant 0 : i32
      %dma_wait3A_196 = arith.constant 0 : i32
      %dma_wait3A_197 = tpu.memref_slice %arg4[%dma_wait3A, %dma_wait3A_196] : memref<80x128xi32, #tpu.memory_space<vmem>> -> memref<1x128xi32, #tpu.memory_space<vmem>>
      %dma_wait3A_198 = tpu.memref_squeeze %dma_wait3A_197 : memref<1x128xi32, #tpu.memory_space<vmem>> -> memref<128xi32, #tpu.memory_space<vmem>>
      %dma_wait3A_199 = arith.constant 0 : i32
      %dma_wait3A_200 = arith.constant 0 : i32
      %dma_wait3A_201 = tpu.memref_slice %arg8[%dma_wait3A_199, %dma_wait3A_200] : memref<10000x128xf32, #tpu.memory_space<vmem_shared>> -> memref<10000x128xf32, #tpu.memory_space<vmem_shared>>
      tpu.wait_indirect_dma semaphore(%arg7 : memref<!tpu.dma_semaphore, #tpu.memory_space<semaphore_mem>>) src(%arg5 : memref<128x128xf32, #tpu.memory_space<vmem>>) dst(%dma_wait3A_201 : memref<10000x128xf32, #tpu.memory_space<vmem_shared>>)
    } else {
    }
    %sub3A_75 = arith.constant 16 : i32
    %sub3A_76 = arith.subi %select_n3A_4, %sub3A_75 : i32
    %max3A_77 = arith.constant 0 : i32
    %max3A_78 = arith.maxsi %sub3A_76, %max3A_77 : i32
    %add3A_79 = arith.constant 5 : i32
    %add3A_80 = arith.addi %max3A_78, %add3A_79 : i32
    %lt3A_81 = arith.cmpi slt, %add3A_80, %select_n3A_4 : i32
    %convert_element_type3A_82 = arith.extui %lt3A_81 : i1 to i32
    %cond3A_83 = arith.constant 0 : i32
    %cond3A_84 = arith.cmpi ne, %convert_element_type3A_82, %cond3A_83 : i32
    scf.if %cond3A_84 {
      %dma_wait3A = arith.constant 0 : i32
      %dma_wait3A_196 = arith.constant 0 : i32
      %dma_wait3A_197 = tpu.memref_slice %arg4[%dma_wait3A, %dma_wait3A_196] : memref<80x128xi32, #tpu.memory_space<vmem>> -> memref<1x128xi32, #tpu.memory_space<vmem>>
      %dma_wait3A_198 = tpu.memref_squeeze %dma_wait3A_197 : memref<1x128xi32, #tpu.memory_space<vmem>> -> memref<128xi32, #tpu.memory_space<vmem>>
      %dma_wait3A_199 = arith.constant 0 : i32
      %dma_wait3A_200 = arith.constant 0 : i32
      %dma_wait3A_201 = tpu.memref_slice %arg8[%dma_wait3A_199, %dma_wait3A_200] : memref<10000x128xf32, #tpu.memory_space<vmem_shared>> -> memref<10000x128xf32, #tpu.memory_space<vmem_shared>>
      tpu.wait_indirect_dma semaphore(%arg7 : memref<!tpu.dma_semaphore, #tpu.memory_space<semaphore_mem>>) src(%arg5 : memref<128x128xf32, #tpu.memory_space<vmem>>) dst(%dma_wait3A_201 : memref<10000x128xf32, #tpu.memory_space<vmem_shared>>)
    } else {
    }
    %sub3A_85 = arith.constant 16 : i32
    %sub3A_86 = arith.subi %select_n3A_4, %sub3A_85 : i32
    %max3A_87 = arith.constant 0 : i32
    %max3A_88 = arith.maxsi %sub3A_86, %max3A_87 : i32
    %add3A_89 = arith.constant 6 : i32
    %add3A_90 = arith.addi %max3A_88, %add3A_89 : i32
    %lt3A_91 = arith.cmpi slt, %add3A_90, %select_n3A_4 : i32
    %convert_element_type3A_92 = arith.extui %lt3A_91 : i1 to i32
    %cond3A_93 = arith.constant 0 : i32
    %cond3A_94 = arith.cmpi ne, %convert_element_type3A_92, %cond3A_93 : i32
    scf.if %cond3A_94 {
      %dma_wait3A = arith.constant 0 : i32
      %dma_wait3A_196 = arith.constant 0 : i32
      %dma_wait3A_197 = tpu.memref_slice %arg4[%dma_wait3A, %dma_wait3A_196] : memref<80x128xi32, #tpu.memory_space<vmem>> -> memref<1x128xi32, #tpu.memory_space<vmem>>
      %dma_wait3A_198 = tpu.memref_squeeze %dma_wait3A_197 : memref<1x128xi32, #tpu.memory_space<vmem>> -> memref<128xi32, #tpu.memory_space<vmem>>
      %dma_wait3A_199 = arith.constant 0 : i32
      %dma_wait3A_200 = arith.constant 0 : i32
      %dma_wait3A_201 = tpu.memref_slice %arg8[%dma_wait3A_199, %dma_wait3A_200] : memref<10000x128xf32, #tpu.memory_space<vmem_shared>> -> memref<10000x128xf32, #tpu.memory_space<vmem_shared>>
      tpu.wait_indirect_dma semaphore(%arg7 : memref<!tpu.dma_semaphore, #tpu.memory_space<semaphore_mem>>) src(%arg5 : memref<128x128xf32, #tpu.memory_space<vmem>>) dst(%dma_wait3A_201 : memref<10000x128xf32, #tpu.memory_space<vmem_shared>>)
    } else {
    }
    %sub3A_95 = arith.constant 16 : i32
    %sub3A_96 = arith.subi %select_n3A_4, %sub3A_95 : i32
    %max3A_97 = arith.constant 0 : i32
    %max3A_98 = arith.maxsi %sub3A_96, %max3A_97 : i32
    %add3A_99 = arith.constant 7 : i32
    %add3A_100 = arith.addi %max3A_98, %add3A_99 : i32
    %lt3A_101 = arith.cmpi slt, %add3A_100, %select_n3A_4 : i32
    %convert_element_type3A_102 = arith.extui %lt3A_101 : i1 to i32
    %cond3A_103 = arith.constant 0 : i32
    %cond3A_104 = arith.cmpi ne, %convert_element_type3A_102, %cond3A_103 : i32
    scf.if %cond3A_104 {
      %dma_wait3A = arith.constant 0 : i32
      %dma_wait3A_196 = arith.constant 0 : i32
      %dma_wait3A_197 = tpu.memref_slice %arg4[%dma_wait3A, %dma_wait3A_196] : memref<80x128xi32, #tpu.memory_space<vmem>> -> memref<1x128xi32, #tpu.memory_space<vmem>>
      %dma_wait3A_198 = tpu.memref_squeeze %dma_wait3A_197 : memref<1x128xi32, #tpu.memory_space<vmem>> -> memref<128xi32, #tpu.memory_space<vmem>>
      %dma_wait3A_199 = arith.constant 0 : i32
      %dma_wait3A_200 = arith.constant 0 : i32
      %dma_wait3A_201 = tpu.memref_slice %arg8[%dma_wait3A_199, %dma_wait3A_200] : memref<10000x128xf32, #tpu.memory_space<vmem_shared>> -> memref<10000x128xf32, #tpu.memory_space<vmem_shared>>
      tpu.wait_indirect_dma semaphore(%arg7 : memref<!tpu.dma_semaphore, #tpu.memory_space<semaphore_mem>>) src(%arg5 : memref<128x128xf32, #tpu.memory_space<vmem>>) dst(%dma_wait3A_201 : memref<10000x128xf32, #tpu.memory_space<vmem_shared>>)
    } else {
    }
    %sub3A_105 = arith.constant 16 : i32
    %sub3A_106 = arith.subi %select_n3A_4, %sub3A_105 : i32
    %max3A_107 = arith.constant 0 : i32
    %max3A_108 = arith.maxsi %sub3A_106, %max3A_107 : i32
    %add3A_109 = arith.constant 8 : i32
    %add3A_110 = arith.addi %max3A_108, %add3A_109 : i32
    %lt3A_111 = arith.cmpi slt, %add3A_110, %select_n3A_4 : i32
    %convert_element_type3A_112 = arith.extui %lt3A_111 : i1 to i32
    %cond3A_113 = arith.constant 0 : i32
    %cond3A_114 = arith.cmpi ne, %convert_element_type3A_112, %cond3A_113 : i32
    scf.if %cond3A_114 {
      %dma_wait3A = arith.constant 0 : i32
      %dma_wait3A_196 = arith.constant 0 : i32
      %dma_wait3A_197 = tpu.memref_slice %arg4[%dma_wait3A, %dma_wait3A_196] : memref<80x128xi32, #tpu.memory_space<vmem>> -> memref<1x128xi32, #tpu.memory_space<vmem>>
      %dma_wait3A_198 = tpu.memref_squeeze %dma_wait3A_197 : memref<1x128xi32, #tpu.memory_space<vmem>> -> memref<128xi32, #tpu.memory_space<vmem>>
      %dma_wait3A_199 = arith.constant 0 : i32
      %dma_wait3A_200 = arith.constant 0 : i32
      %dma_wait3A_201 = tpu.memref_slice %arg8[%dma_wait3A_199, %dma_wait3A_200] : memref<10000x128xf32, #tpu.memory_space<vmem_shared>> -> memref<10000x128xf32, #tpu.memory_space<vmem_shared>>
      tpu.wait_indirect_dma semaphore(%arg7 : memref<!tpu.dma_semaphore, #tpu.memory_space<semaphore_mem>>) src(%arg5 : memref<128x128xf32, #tpu.memory_space<vmem>>) dst(%dma_wait3A_201 : memref<10000x128xf32, #tpu.memory_space<vmem_shared>>)
    } else {
    }
    %sub3A_115 = arith.constant 16 : i32
    %sub3A_116 = arith.subi %select_n3A_4, %sub3A_115 : i32
    %max3A_117 = arith.constant 0 : i32
    %max3A_118 = arith.maxsi %sub3A_116, %max3A_117 : i32
    %add3A_119 = arith.constant 9 : i32
    %add3A_120 = arith.addi %max3A_118, %add3A_119 : i32
    %lt3A_121 = arith.cmpi slt, %add3A_120, %select_n3A_4 : i32
    %convert_element_type3A_122 = arith.extui %lt3A_121 : i1 to i32
    %cond3A_123 = arith.constant 0 : i32
    %cond3A_124 = arith.cmpi ne, %convert_element_type3A_122, %cond3A_123 : i32
    scf.if %cond3A_124 {
      %dma_wait3A = arith.constant 0 : i32
      %dma_wait3A_196 = arith.constant 0 : i32
      %dma_wait3A_197 = tpu.memref_slice %arg4[%dma_wait3A, %dma_wait3A_196] : memref<80x128xi32, #tpu.memory_space<vmem>> -> memref<1x128xi32, #tpu.memory_space<vmem>>
      %dma_wait3A_198 = tpu.memref_squeeze %dma_wait3A_197 : memref<1x128xi32, #tpu.memory_space<vmem>> -> memref<128xi32, #tpu.memory_space<vmem>>
      %dma_wait3A_199 = arith.constant 0 : i32
      %dma_wait3A_200 = arith.constant 0 : i32
      %dma_wait3A_201 = tpu.memref_slice %arg8[%dma_wait3A_199, %dma_wait3A_200] : memref<10000x128xf32, #tpu.memory_space<vmem_shared>> -> memref<10000x128xf32, #tpu.memory_space<vmem_shared>>
      tpu.wait_indirect_dma semaphore(%arg7 : memref<!tpu.dma_semaphore, #tpu.memory_space<semaphore_mem>>) src(%arg5 : memref<128x128xf32, #tpu.memory_space<vmem>>) dst(%dma_wait3A_201 : memref<10000x128xf32, #tpu.memory_space<vmem_shared>>)
    } else {
    }
    %sub3A_125 = arith.constant 16 : i32
    %sub3A_126 = arith.subi %select_n3A_4, %sub3A_125 : i32
    %max3A_127 = arith.constant 0 : i32
    %max3A_128 = arith.maxsi %sub3A_126, %max3A_127 : i32
    %add3A_129 = arith.constant 10 : i32
    %add3A_130 = arith.addi %max3A_128, %add3A_129 : i32
    %lt3A_131 = arith.cmpi slt, %add3A_130, %select_n3A_4 : i32
    %convert_element_type3A_132 = arith.extui %lt3A_131 : i1 to i32
    %cond3A_133 = arith.constant 0 : i32
    %cond3A_134 = arith.cmpi ne, %convert_element_type3A_132, %cond3A_133 : i32
    scf.if %cond3A_134 {
      %dma_wait3A = arith.constant 0 : i32
      %dma_wait3A_196 = arith.constant 0 : i32
      %dma_wait3A_197 = tpu.memref_slice %arg4[%dma_wait3A, %dma_wait3A_196] : memref<80x128xi32, #tpu.memory_space<vmem>> -> memref<1x128xi32, #tpu.memory_space<vmem>>
      %dma_wait3A_198 = tpu.memref_squeeze %dma_wait3A_197 : memref<1x128xi32, #tpu.memory_space<vmem>> -> memref<128xi32, #tpu.memory_space<vmem>>
      %dma_wait3A_199 = arith.constant 0 : i32
      %dma_wait3A_200 = arith.constant 0 : i32
      %dma_wait3A_201 = tpu.memref_slice %arg8[%dma_wait3A_199, %dma_wait3A_200] : memref<10000x128xf32, #tpu.memory_space<vmem_shared>> -> memref<10000x128xf32, #tpu.memory_space<vmem_shared>>
      tpu.wait_indirect_dma semaphore(%arg7 : memref<!tpu.dma_semaphore, #tpu.memory_space<semaphore_mem>>) src(%arg5 : memref<128x128xf32, #tpu.memory_space<vmem>>) dst(%dma_wait3A_201 : memref<10000x128xf32, #tpu.memory_space<vmem_shared>>)
    } else {
    }
    %sub3A_135 = arith.constant 16 : i32
    %sub3A_136 = arith.subi %select_n3A_4, %sub3A_135 : i32
    %max3A_137 = arith.constant 0 : i32
    %max3A_138 = arith.maxsi %sub3A_136, %max3A_137 : i32
    %add3A_139 = arith.constant 11 : i32
    %add3A_140 = arith.addi %max3A_138, %add3A_139 : i32
    %lt3A_141 = arith.cmpi slt, %add3A_140, %select_n3A_4 : i32
    %convert_element_type3A_142 = arith.extui %lt3A_141 : i1 to i32
    %cond3A_143 = arith.constant 0 : i32
    %cond3A_144 = arith.cmpi ne, %convert_element_type3A_142, %cond3A_143 : i32
    scf.if %cond3A_144 {
      %dma_wait3A = arith.constant 0 : i32
      %dma_wait3A_196 = arith.constant 0 : i32
      %dma_wait3A_197 = tpu.memref_slice %arg4[%dma_wait3A, %dma_wait3A_196] : memref<80x128xi32, #tpu.memory_space<vmem>> -> memref<1x128xi32, #tpu.memory_space<vmem>>
      %dma_wait3A_198 = tpu.memref_squeeze %dma_wait3A_197 : memref<1x128xi32, #tpu.memory_space<vmem>> -> memref<128xi32, #tpu.memory_space<vmem>>
      %dma_wait3A_199 = arith.constant 0 : i32
      %dma_wait3A_200 = arith.constant 0 : i32
      %dma_wait3A_201 = tpu.memref_slice %arg8[%dma_wait3A_199, %dma_wait3A_200] : memref<10000x128xf32, #tpu.memory_space<vmem_shared>> -> memref<10000x128xf32, #tpu.memory_space<vmem_shared>>
      tpu.wait_indirect_dma semaphore(%arg7 : memref<!tpu.dma_semaphore, #tpu.memory_space<semaphore_mem>>) src(%arg5 : memref<128x128xf32, #tpu.memory_space<vmem>>) dst(%dma_wait3A_201 : memref<10000x128xf32, #tpu.memory_space<vmem_shared>>)
    } else {
    }
    %sub3A_145 = arith.constant 16 : i32
    %sub3A_146 = arith.subi %select_n3A_4, %sub3A_145 : i32
    %max3A_147 = arith.constant 0 : i32
    %max3A_148 = arith.maxsi %sub3A_146, %max3A_147 : i32
    %add3A_149 = arith.constant 12 : i32
    %add3A_150 = arith.addi %max3A_148, %add3A_149 : i32
    %lt3A_151 = arith.cmpi slt, %add3A_150, %select_n3A_4 : i32
    %convert_element_type3A_152 = arith.extui %lt3A_151 : i1 to i32
    %cond3A_153 = arith.constant 0 : i32
    %cond3A_154 = arith.cmpi ne, %convert_element_type3A_152, %cond3A_153 : i32
    scf.if %cond3A_154 {
      %dma_wait3A = arith.constant 0 : i32
      %dma_wait3A_196 = arith.constant 0 : i32
      %dma_wait3A_197 = tpu.memref_slice %arg4[%dma_wait3A, %dma_wait3A_196] : memref<80x128xi32, #tpu.memory_space<vmem>> -> memref<1x128xi32, #tpu.memory_space<vmem>>
      %dma_wait3A_198 = tpu.memref_squeeze %dma_wait3A_197 : memref<1x128xi32, #tpu.memory_space<vmem>> -> memref<128xi32, #tpu.memory_space<vmem>>
      %dma_wait3A_199 = arith.constant 0 : i32
      %dma_wait3A_200 = arith.constant 0 : i32
      %dma_wait3A_201 = tpu.memref_slice %arg8[%dma_wait3A_199, %dma_wait3A_200] : memref<10000x128xf32, #tpu.memory_space<vmem_shared>> -> memref<10000x128xf32, #tpu.memory_space<vmem_shared>>
      tpu.wait_indirect_dma semaphore(%arg7 : memref<!tpu.dma_semaphore, #tpu.memory_space<semaphore_mem>>) src(%arg5 : memref<128x128xf32, #tpu.memory_space<vmem>>) dst(%dma_wait3A_201 : memref<10000x128xf32, #tpu.memory_space<vmem_shared>>)
    } else {
    }
    %sub3A_155 = arith.constant 16 : i32
    %sub3A_156 = arith.subi %select_n3A_4, %sub3A_155 : i32
    %max3A_157 = arith.constant 0 : i32
    %max3A_158 = arith.maxsi %sub3A_156, %max3A_157 : i32
    %add3A_159 = arith.constant 13 : i32
    %add3A_160 = arith.addi %max3A_158, %add3A_159 : i32
    %lt3A_161 = arith.cmpi slt, %add3A_160, %select_n3A_4 : i32
    %convert_element_type3A_162 = arith.extui %lt3A_161 : i1 to i32
    %cond3A_163 = arith.constant 0 : i32
    %cond3A_164 = arith.cmpi ne, %convert_element_type3A_162, %cond3A_163 : i32
    scf.if %cond3A_164 {
      %dma_wait3A = arith.constant 0 : i32
      %dma_wait3A_196 = arith.constant 0 : i32
      %dma_wait3A_197 = tpu.memref_slice %arg4[%dma_wait3A, %dma_wait3A_196] : memref<80x128xi32, #tpu.memory_space<vmem>> -> memref<1x128xi32, #tpu.memory_space<vmem>>
      %dma_wait3A_198 = tpu.memref_squeeze %dma_wait3A_197 : memref<1x128xi32, #tpu.memory_space<vmem>> -> memref<128xi32, #tpu.memory_space<vmem>>
      %dma_wait3A_199 = arith.constant 0 : i32
      %dma_wait3A_200 = arith.constant 0 : i32
      %dma_wait3A_201 = tpu.memref_slice %arg8[%dma_wait3A_199, %dma_wait3A_200] : memref<10000x128xf32, #tpu.memory_space<vmem_shared>> -> memref<10000x128xf32, #tpu.memory_space<vmem_shared>>
      tpu.wait_indirect_dma semaphore(%arg7 : memref<!tpu.dma_semaphore, #tpu.memory_space<semaphore_mem>>) src(%arg5 : memref<128x128xf32, #tpu.memory_space<vmem>>) dst(%dma_wait3A_201 : memref<10000x128xf32, #tpu.memory_space<vmem_shared>>)
    } else {
    }
    %sub3A_165 = arith.constant 16 : i32
    %sub3A_166 = arith.subi %select_n3A_4, %sub3A_165 : i32
    %max3A_167 = arith.constant 0 : i32
    %max3A_168 = arith.maxsi %sub3A_166, %max3A_167 : i32
    %add3A_169 = arith.constant 14 : i32
    %add3A_170 = arith.addi %max3A_168, %add3A_169 : i32
    %lt3A_171 = arith.cmpi slt, %add3A_170, %select_n3A_4 : i32
    %convert_element_type3A_172 = arith.extui %lt3A_171 : i1 to i32
    %cond3A_173 = arith.constant 0 : i32
    %cond3A_174 = arith.cmpi ne, %convert_element_type3A_172, %cond3A_173 : i32
    scf.if %cond3A_174 {
      %dma_wait3A = arith.constant 0 : i32
      %dma_wait3A_196 = arith.constant 0 : i32
      %dma_wait3A_197 = tpu.memref_slice %arg4[%dma_wait3A, %dma_wait3A_196] : memref<80x128xi32, #tpu.memory_space<vmem>> -> memref<1x128xi32, #tpu.memory_space<vmem>>
      %dma_wait3A_198 = tpu.memref_squeeze %dma_wait3A_197 : memref<1x128xi32, #tpu.memory_space<vmem>> -> memref<128xi32, #tpu.memory_space<vmem>>
      %dma_wait3A_199 = arith.constant 0 : i32
      %dma_wait3A_200 = arith.constant 0 : i32
      %dma_wait3A_201 = tpu.memref_slice %arg8[%dma_wait3A_199, %dma_wait3A_200] : memref<10000x128xf32, #tpu.memory_space<vmem_shared>> -> memref<10000x128xf32, #tpu.memory_space<vmem_shared>>
      tpu.wait_indirect_dma semaphore(%arg7 : memref<!tpu.dma_semaphore, #tpu.memory_space<semaphore_mem>>) src(%arg5 : memref<128x128xf32, #tpu.memory_space<vmem>>) dst(%dma_wait3A_201 : memref<10000x128xf32, #tpu.memory_space<vmem_shared>>)
    } else {
    }
    %sub3A_175 = arith.constant 16 : i32
    %sub3A_176 = arith.subi %select_n3A_4, %sub3A_175 : i32
    %max3A_177 = arith.constant 0 : i32
    %max3A_178 = arith.maxsi %sub3A_176, %max3A_177 : i32
    %add3A_179 = arith.constant 15 : i32
    %add3A_180 = arith.addi %max3A_178, %add3A_179 : i32
    %lt3A_181 = arith.cmpi slt, %add3A_180, %select_n3A_4 : i32
    %convert_element_type3A_182 = arith.extui %lt3A_181 : i1 to i32
    %cond3A_183 = arith.constant 0 : i32
    %cond3A_184 = arith.cmpi ne, %convert_element_type3A_182, %cond3A_183 : i32
    scf.if %cond3A_184 {
      %dma_wait3A = arith.constant 0 : i32
      %dma_wait3A_196 = arith.constant 0 : i32
      %dma_wait3A_197 = tpu.memref_slice %arg4[%dma_wait3A, %dma_wait3A_196] : memref<80x128xi32, #tpu.memory_space<vmem>> -> memref<1x128xi32, #tpu.memory_space<vmem>>
      %dma_wait3A_198 = tpu.memref_squeeze %dma_wait3A_197 : memref<1x128xi32, #tpu.memory_space<vmem>> -> memref<128xi32, #tpu.memory_space<vmem>>
      %dma_wait3A_199 = arith.constant 0 : i32
      %dma_wait3A_200 = arith.constant 0 : i32
      %dma_wait3A_201 = tpu.memref_slice %arg8[%dma_wait3A_199, %dma_wait3A_200] : memref<10000x128xf32, #tpu.memory_space<vmem_shared>> -> memref<10000x128xf32, #tpu.memory_space<vmem_shared>>
      tpu.wait_indirect_dma semaphore(%arg7 : memref<!tpu.dma_semaphore, #tpu.memory_space<semaphore_mem>>) src(%arg5 : memref<128x128xf32, #tpu.memory_space<vmem>>) dst(%dma_wait3A_201 : memref<10000x128xf32, #tpu.memory_space<vmem_shared>>)
    } else {
    }
    %barrier3A_185 = arith.constant 0 : index
    tpu.barrier barrier_id(%barrier3A_185)
    %lt3A_186 = arith.constant 15 : i32
    %lt3A_187 = arith.cmpi slt, %arg1, %lt3A_186 : i32
    %convert_element_type3A_188 = arith.extui %lt3A_187 : i1 to i32
    %cond3A_189 = arith.constant 0 : i32
    %cond3A_190 = arith.cmpi ne, %convert_element_type3A_188, %cond3A_189 : i32
    scf.if %cond3A_190 {
      "tpu.region"() ({
        %run_scoped3A = tpu.sem_alloc : memref<!tpu.dma_semaphore, #tpu.memory_space<semaphore_mem>>
        %dma_start3A = arith.constant 0 : i32
        %dma_start3A_196 = tpu.memref_slice %arg3[%arg0, %mul3A_13, %dma_start3A] : memref<2x10000x128xf32, #tpu.memory_space<hbm>> -> memref<1x632x128xf32, #tpu.memory_space<hbm>>
        %dma_start3A_197 = tpu.memref_squeeze %dma_start3A_196 : memref<1x632x128xf32, #tpu.memory_space<hbm>> -> memref<632x128xf32, #tpu.memory_space<hbm>>
        %dma_start3A_198 = arith.constant 0 : i32
        %dma_start3A_199 = tpu.memref_slice %arg8[%mul3A_13, %dma_start3A_198] : memref<10000x128xf32, #tpu.memory_space<vmem_shared>> -> memref<632x128xf32, #tpu.memory_space<vmem_shared>>
        tpu.enqueue_dma source(%dma_start3A_199 : memref<632x128xf32, #tpu.memory_space<vmem_shared>>) target(%dma_start3A_197 : memref<632x128xf32, #tpu.memory_space<hbm>>) target_semaphore(%run_scoped3A : memref<!tpu.dma_semaphore, #tpu.memory_space<semaphore_mem>>)
        %dma_wait3A = arith.constant 0 : i32
        %dma_wait3A_200 = tpu.memref_slice %arg3[%arg0, %mul3A_13, %dma_wait3A] : memref<2x10000x128xf32, #tpu.memory_space<hbm>> -> memref<1x632x128xf32, #tpu.memory_space<hbm>>
        %dma_wait3A_201 = tpu.memref_squeeze %dma_wait3A_200 : memref<1x632x128xf32, #tpu.memory_space<hbm>> -> memref<632x128xf32, #tpu.memory_space<hbm>>
        %dma_wait3A_202 = arith.constant 0 : i32
        %dma_wait3A_203 = tpu.memref_slice %arg8[%mul3A_13, %dma_wait3A_202] : memref<10000x128xf32, #tpu.memory_space<vmem_shared>> -> memref<632x128xf32, #tpu.memory_space<vmem_shared>>
        tpu.wait_dma2 semaphore(%run_scoped3A : memref<!tpu.dma_semaphore, #tpu.memory_space<semaphore_mem>>) src(%dma_wait3A_203 : memref<632x128xf32, #tpu.memory_space<vmem_shared>>) dst(%dma_wait3A_201 : memref<632x128xf32, #tpu.memory_space<hbm>>)
        tpu.yield
      }) : () -> ()
    } else {
    }
    %eq3A_191 = arith.constant 15 : i32
    %eq3A_192 = arith.cmpi eq, %arg1, %eq3A_191 : i32
    %convert_element_type3A_193 = arith.extui %eq3A_192 : i1 to i32
    %cond3A_194 = arith.constant 0 : i32
    %cond3A_195 = arith.cmpi ne, %convert_element_type3A_193, %cond3A_194 : i32
    scf.if %cond3A_195 {
      "tpu.region"() ({
        %run_scoped3A = tpu.sem_alloc : memref<!tpu.dma_semaphore, #tpu.memory_space<semaphore_mem>>
        %dma_start3A = arith.constant 0 : i32
        %dma_start3A_196 = tpu.memref_slice %arg3[%arg0, %mul3A_13, %dma_start3A] : memref<2x10000x128xf32, #tpu.memory_space<hbm>> -> memref<1x520x128xf32, #tpu.memory_space<hbm>>
        %dma_start3A_197 = tpu.memref_squeeze %dma_start3A_196 : memref<1x520x128xf32, #tpu.memory_space<hbm>> -> memref<520x128xf32, #tpu.memory_space<hbm>>
        %dma_start3A_198 = arith.constant 0 : i32
        %dma_start3A_199 = tpu.memref_slice %arg8[%mul3A_13, %dma_start3A_198] : memref<10000x128xf32, #tpu.memory_space<vmem_shared>> -> memref<520x128xf32, #tpu.memory_space<vmem_shared>>
        tpu.enqueue_dma source(%dma_start3A_199 : memref<520x128xf32, #tpu.memory_space<vmem_shared>>) target(%dma_start3A_197 : memref<520x128xf32, #tpu.memory_space<hbm>>) target_semaphore(%run_scoped3A : memref<!tpu.dma_semaphore, #tpu.memory_space<semaphore_mem>>)
        %dma_wait3A = arith.constant 0 : i32
        %dma_wait3A_200 = tpu.memref_slice %arg3[%arg0, %mul3A_13, %dma_wait3A] : memref<2x10000x128xf32, #tpu.memory_space<hbm>> -> memref<1x520x128xf32, #tpu.memory_space<hbm>>
        %dma_wait3A_201 = tpu.memref_squeeze %dma_wait3A_200 : memref<1x520x128xf32, #tpu.memory_space<hbm>> -> memref<520x128xf32, #tpu.memory_space<hbm>>
        %dma_wait3A_202 = arith.constant 0 : i32
        %dma_wait3A_203 = tpu.memref_slice %arg8[%mul3A_13, %dma_wait3A_202] : memref<10000x128xf32, #tpu.memory_space<vmem_shared>> -> memref<520x128xf32, #tpu.memory_space<vmem_shared>>
        tpu.wait_dma2 semaphore(%run_scoped3A : memref<!tpu.dma_semaphore, #tpu.memory_space<semaphore_mem>>) src(%dma_wait3A_203 : memref<520x128xf32, #tpu.memory_space<vmem_shared>>) dst(%dma_wait3A_201 : memref<520x128xf32, #tpu.memory_space<hbm>>)
        tpu.yield
      }) : () -> ()
    } else {
    }
    return
  }
}

#map = affine_map<(d0, d1) -> (0, 0)>
module attributes {stable_mosaic.version = 14 : i64} {
  func.func @k(%arg0: i32, %arg1: i32, %arg2: memref<20000x128xf32, #tpu.memory_space<hbm>>, %arg3: memref<1280x128xi32, #tpu.memory_space<hbm>>, %arg4: memref<1280x128xi32, #tpu.memory_space<hbm>>, %arg5: memref<10000x256xf32, #tpu.memory_space<hbm>>, %arg6: memref<40x128xi32, #tpu.memory_space<vmem>>, %arg7: memref<40x128xi32, #tpu.memory_space<vmem>>, %arg8: memref<128x128xf32, #tpu.memory_space<vmem>>, %arg9: memref<128x128xf32, #tpu.memory_space<vmem>>, %arg10: memref<!tpu.dma_semaphore, #tpu.memory_space<semaphore_mem>>, %arg11: memref<!tpu.dma_semaphore, #tpu.memory_space<semaphore_mem>>, %arg12: memref<!tpu.dma_semaphore, #tpu.memory_space<semaphore_mem>>, %arg13: memref<!tpu.dma_semaphore, #tpu.memory_space<semaphore_mem>>, %arg14: memref<10000x128xf32, #tpu.memory_space<vmem_shared>>) attributes {dimension_semantics = [#tpu.dimension_semantics<core_parallel>, #tpu.dimension_semantics<subcore_parallel>], iteration_bounds = array<i64: 2, 16>, scalar_prefetch = 0 : i64, scratch_operands = 9 : i64, tpu.core_type = #tpu.core_type<sc_vector_subcore>, window_params = [{transform_indices = #map}, {transform_indices = #map}, {transform_indices = #map}, {transform_indices = #map}]} {
    %lt3A = arith.constant 15 : i32
    %lt3A_0 = arith.cmpi slt, %arg1, %lt3A : i32
    %eq3A = arith.constant 15 : i32
    %eq3A_1 = arith.cmpi eq, %arg1, %eq3A : i32
    %jit3A = arith.constant 50 : i32
    %jit3A_2 = arith.constant 0 : i32
    %select_n3A = arith.select %eq3A_1, %jit3A, %jit3A_2 : i32
    %jit3A_3 = arith.constant 80 : i32
    %select_n3A_4 = arith.select %lt3A_0, %jit3A_3, %select_n3A : i32
    %mul3A = arith.constant 80 : i32
    %mul3A_5 = arith.muli %arg1, %mul3A : i32
    %scan3A = arith.constant 0 : i32
    %scan3A_6 = arith.constant 128 : i32
    %scan3A_7 = arith.addi %scan3A, %scan3A_6 : i32
    %scan3A_8 = arith.constant 1 : i32
    scf.for %scan3A_126 = %scan3A to %scan3A_7 step %scan3A_8  : i32 {
      %mul3A_127 = arith.constant 1 : i32
      %mul3A_128 = arith.muli %scan3A_126, %mul3A_127 : i32
      %add3A_129 = arith.constant 0 : i32
      %add3A_130 = arith.addi %add3A_129, %mul3A_128 : i32
      %broadcast_in_dim3A = arith.constant 0.000000e+00 : f32
      %broadcast_in_dim3A_131 = vector.broadcast %broadcast_in_dim3A : f32 to vector<16xf32>
      %swap3A = arith.index_cast %add3A_130 : i32 to index
      %swap3A_132 = arith.constant 0 : index
      %swap3A_133 = tpu.vector_load %arg8[%swap3A, %swap3A_132] {strides = array<i32>} : memref<128x128xf32, #tpu.memory_space<vmem>>, vector<1x16xf32>,
      %swap3A_134 = vector.shape_cast %swap3A_133 : vector<1x16xf32> to vector<16xf32>
      %swap3A_135 = vector.shape_cast %broadcast_in_dim3A_131 : vector<16xf32> to vector<1x16xf32>
      tpu.vector_store %arg8[%swap3A, %swap3A_132], %swap3A_135 {strides = array<i32>} : memref<128x128xf32, #tpu.memory_space<vmem>>, vector<1x16xf32>,
      %broadcast_in_dim3A_136 = arith.constant 0.000000e+00 : f32
      %broadcast_in_dim3A_137 = vector.broadcast %broadcast_in_dim3A_136 : f32 to vector<16xf32>
      %swap3A_138 = arith.index_cast %add3A_130 : i32 to index
      %swap3A_139 = arith.constant 16 : index
      %swap3A_140 = tpu.vector_load %arg8[%swap3A_138, %swap3A_139] {strides = array<i32>} : memref<128x128xf32, #tpu.memory_space<vmem>>, vector<1x16xf32>,
      %swap3A_141 = vector.shape_cast %swap3A_140 : vector<1x16xf32> to vector<16xf32>
      %swap3A_142 = vector.shape_cast %broadcast_in_dim3A_137 : vector<16xf32> to vector<1x16xf32>
      tpu.vector_store %arg8[%swap3A_138, %swap3A_139], %swap3A_142 {strides = array<i32>} : memref<128x128xf32, #tpu.memory_space<vmem>>, vector<1x16xf32>,
      %broadcast_in_dim3A_143 = arith.constant 0.000000e+00 : f32
      %broadcast_in_dim3A_144 = vector.broadcast %broadcast_in_dim3A_143 : f32 to vector<16xf32>
      %swap3A_145 = arith.index_cast %add3A_130 : i32 to index
      %swap3A_146 = arith.constant 32 : index
      %swap3A_147 = tpu.vector_load %arg8[%swap3A_145, %swap3A_146] {strides = array<i32>} : memref<128x128xf32, #tpu.memory_space<vmem>>, vector<1x16xf32>,
      %swap3A_148 = vector.shape_cast %swap3A_147 : vector<1x16xf32> to vector<16xf32>
      %swap3A_149 = vector.shape_cast %broadcast_in_dim3A_144 : vector<16xf32> to vector<1x16xf32>
      tpu.vector_store %arg8[%swap3A_145, %swap3A_146], %swap3A_149 {strides = array<i32>} : memref<128x128xf32, #tpu.memory_space<vmem>>, vector<1x16xf32>,
      %broadcast_in_dim3A_150 = arith.constant 0.000000e+00 : f32
      %broadcast_in_dim3A_151 = vector.broadcast %broadcast_in_dim3A_150 : f32 to vector<16xf32>
      %swap3A_152 = arith.index_cast %add3A_130 : i32 to index
      %swap3A_153 = arith.constant 48 : index
      %swap3A_154 = tpu.vector_load %arg8[%swap3A_152, %swap3A_153] {strides = array<i32>} : memref<128x128xf32, #tpu.memory_space<vmem>>, vector<1x16xf32>,
      %swap3A_155 = vector.shape_cast %swap3A_154 : vector<1x16xf32> to vector<16xf32>
      %swap3A_156 = vector.shape_cast %broadcast_in_dim3A_151 : vector<16xf32> to vector<1x16xf32>
      tpu.vector_store %arg8[%swap3A_152, %swap3A_153], %swap3A_156 {strides = array<i32>} : memref<128x128xf32, #tpu.memory_space<vmem>>, vector<1x16xf32>,
      %broadcast_in_dim3A_157 = arith.constant 0.000000e+00 : f32
      %broadcast_in_dim3A_158 = vector.broadcast %broadcast_in_dim3A_157 : f32 to vector<16xf32>
      %swap3A_159 = arith.index_cast %add3A_130 : i32 to index
      %swap3A_160 = arith.constant 64 : index
      %swap3A_161 = tpu.vector_load %arg8[%swap3A_159, %swap3A_160] {strides = array<i32>} : memref<128x128xf32, #tpu.memory_space<vmem>>, vector<1x16xf32>,
      %swap3A_162 = vector.shape_cast %swap3A_161 : vector<1x16xf32> to vector<16xf32>
      %swap3A_163 = vector.shape_cast %broadcast_in_dim3A_158 : vector<16xf32> to vector<1x16xf32>
      tpu.vector_store %arg8[%swap3A_159, %swap3A_160], %swap3A_163 {strides = array<i32>} : memref<128x128xf32, #tpu.memory_space<vmem>>, vector<1x16xf32>,
      %broadcast_in_dim3A_164 = arith.constant 0.000000e+00 : f32
      %broadcast_in_dim3A_165 = vector.broadcast %broadcast_in_dim3A_164 : f32 to vector<16xf32>
      %swap3A_166 = arith.index_cast %add3A_130 : i32 to index
      %swap3A_167 = arith.constant 80 : index
      %swap3A_168 = tpu.vector_load %arg8[%swap3A_166, %swap3A_167] {strides = array<i32>} : memref<128x128xf32, #tpu.memory_space<vmem>>, vector<1x16xf32>,
      %swap3A_169 = vector.shape_cast %swap3A_168 : vector<1x16xf32> to vector<16xf32>
      %swap3A_170 = vector.shape_cast %broadcast_in_dim3A_165 : vector<16xf32> to vector<1x16xf32>
      tpu.vector_store %arg8[%swap3A_166, %swap3A_167], %swap3A_170 {strides = array<i32>} : memref<128x128xf32, #tpu.memory_space<vmem>>, vector<1x16xf32>,
      %broadcast_in_dim3A_171 = arith.constant 0.000000e+00 : f32
      %broadcast_in_dim3A_172 = vector.broadcast %broadcast_in_dim3A_171 : f32 to vector<16xf32>
      %swap3A_173 = arith.index_cast %add3A_130 : i32 to index
      %swap3A_174 = arith.constant 96 : index
      %swap3A_175 = tpu.vector_load %arg8[%swap3A_173, %swap3A_174] {strides = array<i32>} : memref<128x128xf32, #tpu.memory_space<vmem>>, vector<1x16xf32>,
      %swap3A_176 = vector.shape_cast %swap3A_175 : vector<1x16xf32> to vector<16xf32>
      %swap3A_177 = vector.shape_cast %broadcast_in_dim3A_172 : vector<16xf32> to vector<1x16xf32>
      tpu.vector_store %arg8[%swap3A_173, %swap3A_174], %swap3A_177 {strides = array<i32>} : memref<128x128xf32, #tpu.memory_space<vmem>>, vector<1x16xf32>,
      %broadcast_in_dim3A_178 = arith.constant 0.000000e+00 : f32
      %broadcast_in_dim3A_179 = vector.broadcast %broadcast_in_dim3A_178 : f32 to vector<16xf32>
      %swap3A_180 = arith.index_cast %add3A_130 : i32 to index
      %swap3A_181 = arith.constant 112 : index
      %swap3A_182 = tpu.vector_load %arg8[%swap3A_180, %swap3A_181] {strides = array<i32>} : memref<128x128xf32, #tpu.memory_space<vmem>>, vector<1x16xf32>,
      %swap3A_183 = vector.shape_cast %swap3A_182 : vector<1x16xf32> to vector<16xf32>
      %swap3A_184 = vector.shape_cast %broadcast_in_dim3A_179 : vector<16xf32> to vector<1x16xf32>
      tpu.vector_store %arg8[%swap3A_180, %swap3A_181], %swap3A_184 {strides = array<i32>} : memref<128x128xf32, #tpu.memory_space<vmem>>, vector<1x16xf32>,
    }
    %scan3A_9 = arith.constant 128 : i32
    %mul3A_10 = arith.constant 632 : i32
    %mul3A_11 = arith.muli %arg1, %mul3A_10 : i32
    %lt3A_12 = arith.constant 15 : i32
    %lt3A_13 = arith.cmpi slt, %arg1, %lt3A_12 : i32
    %convert_element_type3A = arith.extui %lt3A_13 : i1 to i32
    %cond3A = arith.constant 0 : i32
    %cond3A_14 = arith.cmpi ne, %convert_element_type3A, %cond3A : i32
    scf.if %cond3A_14 {
      %scan3A_126 = arith.constant 0 : i32
      %scan3A_127 = arith.constant 4 : i32
      %scan3A_128 = arith.addi %scan3A_126, %scan3A_127 : i32
      %scan3A_129 = arith.constant 1 : i32
      scf.for %scan3A_133 = %scan3A_126 to %scan3A_128 step %scan3A_129  : i32 {
        %mul3A_134 = arith.constant 1 : i32
        %mul3A_135 = arith.muli %scan3A_133, %mul3A_134 : i32
        %add3A_136 = arith.constant 0 : i32
        %add3A_137 = arith.addi %add3A_136, %mul3A_135 : i32
        %mul3A_138 = arith.constant 128 : i32
        %mul3A_139 = arith.muli %add3A_137, %mul3A_138 : i32
        %add3A_140 = arith.addi %mul3A_11, %mul3A_139 : i32
        "tpu.region"() ({
          %run_scoped3A = tpu.sem_alloc : memref<!tpu.dma_semaphore, #tpu.memory_space<semaphore_mem>>
          %dma_start3A = arith.constant 0 : i32
          %dma_start3A_141 = tpu.memref_slice %arg14[%add3A_140, %dma_start3A] : memref<10000x128xf32, #tpu.memory_space<vmem_shared>> -> memref<128x128xf32, #tpu.memory_space<vmem_shared>>
          %dma_start3A_142 = arith.constant 0 : i32
          %dma_start3A_143 = tpu.memref_slice %arg14[%add3A_140, %dma_start3A_142] : memref<10000x128xf32, #tpu.memory_space<vmem_shared>> -> memref<128x128xf32, #tpu.memory_space<vmem_shared>>
          tpu.enqueue_dma source(%arg8 : memref<128x128xf32, #tpu.memory_space<vmem>>) target(%dma_start3A_143 : memref<128x128xf32, #tpu.memory_space<vmem_shared>>) target_semaphore(%run_scoped3A : memref<!tpu.dma_semaphore, #tpu.memory_space<semaphore_mem>>)
          %dma_wait3A = arith.constant 0 : i32
          %dma_wait3A_144 = tpu.memref_slice %arg14[%add3A_140, %dma_wait3A] : memref<10000x128xf32, #tpu.memory_space<vmem_shared>> -> memref<128x128xf32, #tpu.memory_space<vmem_shared>>
          %dma_wait3A_145 = arith.constant 0 : i32
          %dma_wait3A_146 = tpu.memref_slice %arg14[%add3A_140, %dma_wait3A_145] : memref<10000x128xf32, #tpu.memory_space<vmem_shared>> -> memref<128x128xf32, #tpu.memory_space<vmem_shared>>
          tpu.wait_dma2 semaphore(%run_scoped3A : memref<!tpu.dma_semaphore, #tpu.memory_space<semaphore_mem>>) src(%arg8 : memref<128x128xf32, #tpu.memory_space<vmem>>) dst(%dma_wait3A_146 : memref<128x128xf32, #tpu.memory_space<vmem_shared>>)
          tpu.yield
        }) : () -> ()
      }
      %scan3A_130 = arith.constant 4 : i32
      %add3A_131 = arith.constant 512 : i32
      %add3A_132 = arith.addi %mul3A_11, %add3A_131 : i32
      "tpu.region"() ({
        %run_scoped3A = tpu.sem_alloc : memref<!tpu.dma_semaphore, #tpu.memory_space<semaphore_mem>>
        %dma_start3A = arith.constant 0 : i32
        %dma_start3A_133 = arith.constant 0 : i32
        %dma_start3A_134 = tpu.memref_slice %arg8[%dma_start3A, %dma_start3A_133] : memref<128x128xf32, #tpu.memory_space<vmem>> -> memref<120x128xf32, #tpu.memory_space<vmem>>
        %dma_start3A_135 = arith.constant 0 : i32
        %dma_start3A_136 = tpu.memref_slice %arg14[%add3A_132, %dma_start3A_135] : memref<10000x128xf32, #tpu.memory_space<vmem_shared>> -> memref<120x128xf32, #tpu.memory_space<vmem_shared>>
        %dma_start3A_137 = arith.constant 0 : i32
        %dma_start3A_138 = tpu.memref_slice %arg14[%add3A_132, %dma_start3A_137] : memref<10000x128xf32, #tpu.memory_space<vmem_shared>> -> memref<120x128xf32, #tpu.memory_space<vmem_shared>>
        %dma_start3A_139 = arith.constant 0 : i32
        %dma_start3A_140 = arith.constant 0 : i32
        %dma_start3A_141 = tpu.memref_slice %arg8[%dma_start3A_139, %dma_start3A_140] : memref<128x128xf32, #tpu.memory_space<vmem>> -> memref<120x128xf32, #tpu.memory_space<vmem>>
        tpu.enqueue_dma source(%dma_start3A_141 : memref<120x128xf32, #tpu.memory_space<vmem>>) target(%dma_start3A_138 : memref<120x128xf32, #tpu.memory_space<vmem_shared>>) target_semaphore(%run_scoped3A : memref<!tpu.dma_semaphore, #tpu.memory_space<semaphore_mem>>)
        %dma_wait3A = arith.constant 0 : i32
        %dma_wait3A_142 = arith.constant 0 : i32
        %dma_wait3A_143 = tpu.memref_slice %arg8[%dma_wait3A, %dma_wait3A_142] : memref<128x128xf32, #tpu.memory_space<vmem>> -> memref<120x128xf32, #tpu.memory_space<vmem>>
        %dma_wait3A_144 = arith.constant 0 : i32
        %dma_wait3A_145 = tpu.memref_slice %arg14[%add3A_132, %dma_wait3A_144] : memref<10000x128xf32, #tpu.memory_space<vmem_shared>> -> memref<120x128xf32, #tpu.memory_space<vmem_shared>>
        %dma_wait3A_146 = arith.constant 0 : i32
        %dma_wait3A_147 = tpu.memref_slice %arg14[%add3A_132, %dma_wait3A_146] : memref<10000x128xf32, #tpu.memory_space<vmem_shared>> -> memref<120x128xf32, #tpu.memory_space<vmem_shared>>
        %dma_wait3A_148 = arith.constant 0 : i32
        %dma_wait3A_149 = arith.constant 0 : i32
        %dma_wait3A_150 = tpu.memref_slice %arg8[%dma_wait3A_148, %dma_wait3A_149] : memref<128x128xf32, #tpu.memory_space<vmem>> -> memref<120x128xf32, #tpu.memory_space<vmem>>
        tpu.wait_dma2 semaphore(%run_scoped3A : memref<!tpu.dma_semaphore, #tpu.memory_space<semaphore_mem>>) src(%dma_wait3A_150 : memref<120x128xf32, #tpu.memory_space<vmem>>) dst(%dma_wait3A_147 : memref<120x128xf32, #tpu.memory_space<vmem_shared>>)
        tpu.yield
      }) : () -> ()
    } else {
    }
    %eq3A_15 = arith.constant 15 : i32
    %eq3A_16 = arith.cmpi eq, %arg1, %eq3A_15 : i32
    %convert_element_type3A_17 = arith.extui %eq3A_16 : i1 to i32
    %cond3A_18 = arith.constant 0 : i32
    %cond3A_19 = arith.cmpi ne, %convert_element_type3A_17, %cond3A_18 : i32
    scf.if %cond3A_19 {
      %scan3A_126 = arith.constant 0 : i32
      %scan3A_127 = arith.constant 4 : i32
      %scan3A_128 = arith.addi %scan3A_126, %scan3A_127 : i32
      %scan3A_129 = arith.constant 1 : i32
      scf.for %scan3A_133 = %scan3A_126 to %scan3A_128 step %scan3A_129  : i32 {
        %mul3A_134 = arith.constant 1 : i32
        %mul3A_135 = arith.muli %scan3A_133, %mul3A_134 : i32
        %add3A_136 = arith.constant 0 : i32
        %add3A_137 = arith.addi %add3A_136, %mul3A_135 : i32
        %mul3A_138 = arith.constant 128 : i32
        %mul3A_139 = arith.muli %add3A_137, %mul3A_138 : i32
        %add3A_140 = arith.addi %mul3A_11, %mul3A_139 : i32
        "tpu.region"() ({
          %run_scoped3A = tpu.sem_alloc : memref<!tpu.dma_semaphore, #tpu.memory_space<semaphore_mem>>
          %dma_start3A = arith.constant 0 : i32
          %dma_start3A_141 = tpu.memref_slice %arg14[%add3A_140, %dma_start3A] : memref<10000x128xf32, #tpu.memory_space<vmem_shared>> -> memref<128x128xf32, #tpu.memory_space<vmem_shared>>
          %dma_start3A_142 = arith.constant 0 : i32
          %dma_start3A_143 = tpu.memref_slice %arg14[%add3A_140, %dma_start3A_142] : memref<10000x128xf32, #tpu.memory_space<vmem_shared>> -> memref<128x128xf32, #tpu.memory_space<vmem_shared>>
          tpu.enqueue_dma source(%arg8 : memref<128x128xf32, #tpu.memory_space<vmem>>) target(%dma_start3A_143 : memref<128x128xf32, #tpu.memory_space<vmem_shared>>) target_semaphore(%run_scoped3A : memref<!tpu.dma_semaphore, #tpu.memory_space<semaphore_mem>>)
          %dma_wait3A = arith.constant 0 : i32
          %dma_wait3A_144 = tpu.memref_slice %arg14[%add3A_140, %dma_wait3A] : memref<10000x128xf32, #tpu.memory_space<vmem_shared>> -> memref<128x128xf32, #tpu.memory_space<vmem_shared>>
          %dma_wait3A_145 = arith.constant 0 : i32
          %dma_wait3A_146 = tpu.memref_slice %arg14[%add3A_140, %dma_wait3A_145] : memref<10000x128xf32, #tpu.memory_space<vmem_shared>> -> memref<128x128xf32, #tpu.memory_space<vmem_shared>>
          tpu.wait_dma2 semaphore(%run_scoped3A : memref<!tpu.dma_semaphore, #tpu.memory_space<semaphore_mem>>) src(%arg8 : memref<128x128xf32, #tpu.memory_space<vmem>>) dst(%dma_wait3A_146 : memref<128x128xf32, #tpu.memory_space<vmem_shared>>)
          tpu.yield
        }) : () -> ()
      }
      %scan3A_130 = arith.constant 4 : i32
      %add3A_131 = arith.constant 512 : i32
      %add3A_132 = arith.addi %mul3A_11, %add3A_131 : i32
      "tpu.region"() ({
        %run_scoped3A = tpu.sem_alloc : memref<!tpu.dma_semaphore, #tpu.memory_space<semaphore_mem>>
        %dma_start3A = arith.constant 0 : i32
        %dma_start3A_133 = arith.constant 0 : i32
        %dma_start3A_134 = tpu.memref_slice %arg8[%dma_start3A, %dma_start3A_133] : memref<128x128xf32, #tpu.memory_space<vmem>> -> memref<8x128xf32, #tpu.memory_space<vmem>>
        %dma_start3A_135 = arith.constant 0 : i32
        %dma_start3A_136 = tpu.memref_slice %arg14[%add3A_132, %dma_start3A_135] : memref<10000x128xf32, #tpu.memory_space<vmem_shared>> -> memref<8x128xf32, #tpu.memory_space<vmem_shared>>
        %dma_start3A_137 = arith.constant 0 : i32
        %dma_start3A_138 = tpu.memref_slice %arg14[%add3A_132, %dma_start3A_137] : memref<10000x128xf32, #tpu.memory_space<vmem_shared>> -> memref<8x128xf32, #tpu.memory_space<vmem_shared>>
        %dma_start3A_139 = arith.constant 0 : i32
        %dma_start3A_140 = arith.constant 0 : i32
        %dma_start3A_141 = tpu.memref_slice %arg8[%dma_start3A_139, %dma_start3A_140] : memref<128x128xf32, #tpu.memory_space<vmem>> -> memref<8x128xf32, #tpu.memory_space<vmem>>
        tpu.enqueue_dma source(%dma_start3A_141 : memref<8x128xf32, #tpu.memory_space<vmem>>) target(%dma_start3A_138 : memref<8x128xf32, #tpu.memory_space<vmem_shared>>) target_semaphore(%run_scoped3A : memref<!tpu.dma_semaphore, #tpu.memory_space<semaphore_mem>>)
        %dma_wait3A = arith.constant 0 : i32
        %dma_wait3A_142 = arith.constant 0 : i32
        %dma_wait3A_143 = tpu.memref_slice %arg8[%dma_wait3A, %dma_wait3A_142] : memref<128x128xf32, #tpu.memory_space<vmem>> -> memref<8x128xf32, #tpu.memory_space<vmem>>
        %dma_wait3A_144 = arith.constant 0 : i32
        %dma_wait3A_145 = tpu.memref_slice %arg14[%add3A_132, %dma_wait3A_144] : memref<10000x128xf32, #tpu.memory_space<vmem_shared>> -> memref<8x128xf32, #tpu.memory_space<vmem_shared>>
        %dma_wait3A_146 = arith.constant 0 : i32
        %dma_wait3A_147 = tpu.memref_slice %arg14[%add3A_132, %dma_wait3A_146] : memref<10000x128xf32, #tpu.memory_space<vmem_shared>> -> memref<8x128xf32, #tpu.memory_space<vmem_shared>>
        %dma_wait3A_148 = arith.constant 0 : i32
        %dma_wait3A_149 = arith.constant 0 : i32
        %dma_wait3A_150 = tpu.memref_slice %arg8[%dma_wait3A_148, %dma_wait3A_149] : memref<128x128xf32, #tpu.memory_space<vmem>> -> memref<8x128xf32, #tpu.memory_space<vmem>>
        tpu.wait_dma2 semaphore(%run_scoped3A : memref<!tpu.dma_semaphore, #tpu.memory_space<semaphore_mem>>) src(%dma_wait3A_150 : memref<8x128xf32, #tpu.memory_space<vmem>>) dst(%dma_wait3A_147 : memref<8x128xf32, #tpu.memory_space<vmem_shared>>)
        tpu.yield
      }) : () -> ()
    } else {
    }
    %barrier3A = arith.constant 0 : index
    tpu.barrier barrier_id(%barrier3A)
    %sub3A = arith.constant 0 : i32
    %sub3A_20 = arith.subi %select_n3A_4, %sub3A : i32
    %jit3A_21 = arith.constant 0 : i32
    %jit3A_22 = arith.constant 40 : i32
    %max3A = arith.maxsi %jit3A_21, %sub3A_20 : i32
    %min3A = arith.minsi %jit3A_22, %max3A : i32
    %add3A = arith.constant 0 : i32
    %add3A_23 = arith.addi %mul3A_5, %add3A : i32
    "tpu.region"() ({
      %run_scoped3A = tpu.sem_alloc : memref<!tpu.dma_semaphore, #tpu.memory_space<semaphore_mem>>
      %dma_start3A = arith.constant 0 : i32
      %dma_start3A_126 = tpu.memref_slice %arg3[%add3A_23, %dma_start3A] : memref<1280x128xi32, #tpu.memory_space<hbm>> -> memref<40x128xi32, #tpu.memory_space<hbm>>
      %dma_start3A_127 = arith.constant 0 : i32
      %dma_start3A_128 = tpu.memref_slice %arg3[%add3A_23, %dma_start3A_127] : memref<1280x128xi32, #tpu.memory_space<hbm>> -> memref<40x128xi32, #tpu.memory_space<hbm>>
      tpu.enqueue_dma source(%dma_start3A_128 : memref<40x128xi32, #tpu.memory_space<hbm>>) target(%arg6 : memref<40x128xi32, #tpu.memory_space<vmem>>) target_semaphore(%run_scoped3A : memref<!tpu.dma_semaphore, #tpu.memory_space<semaphore_mem>>)
      %dma_wait3A = arith.constant 0 : i32
      %dma_wait3A_129 = tpu.memref_slice %arg3[%add3A_23, %dma_wait3A] : memref<1280x128xi32, #tpu.memory_space<hbm>> -> memref<40x128xi32, #tpu.memory_space<hbm>>
      %dma_wait3A_130 = arith.constant 0 : i32
      %dma_wait3A_131 = tpu.memref_slice %arg3[%add3A_23, %dma_wait3A_130] : memref<1280x128xi32, #tpu.memory_space<hbm>> -> memref<40x128xi32, #tpu.memory_space<hbm>>
      tpu.wait_dma2 semaphore(%run_scoped3A : memref<!tpu.dma_semaphore, #tpu.memory_space<semaphore_mem>>) src(%dma_wait3A_131 : memref<40x128xi32, #tpu.memory_space<hbm>>) dst(%arg6 : memref<40x128xi32, #tpu.memory_space<vmem>>)
      tpu.yield
    }) : () -> ()
    %add3A_24 = arith.constant 0 : i32
    %add3A_25 = arith.addi %mul3A_5, %add3A_24 : i32
    "tpu.region"() ({
      %run_scoped3A = tpu.sem_alloc : memref<!tpu.dma_semaphore, #tpu.memory_space<semaphore_mem>>
      %dma_start3A = arith.constant 0 : i32
      %dma_start3A_126 = tpu.memref_slice %arg4[%add3A_25, %dma_start3A] : memref<1280x128xi32, #tpu.memory_space<hbm>> -> memref<40x128xi32, #tpu.memory_space<hbm>>
      %dma_start3A_127 = arith.constant 0 : i32
      %dma_start3A_128 = tpu.memref_slice %arg4[%add3A_25, %dma_start3A_127] : memref<1280x128xi32, #tpu.memory_space<hbm>> -> memref<40x128xi32, #tpu.memory_space<hbm>>
      tpu.enqueue_dma source(%dma_start3A_128 : memref<40x128xi32, #tpu.memory_space<hbm>>) target(%arg7 : memref<40x128xi32, #tpu.memory_space<vmem>>) target_semaphore(%run_scoped3A : memref<!tpu.dma_semaphore, #tpu.memory_space<semaphore_mem>>)
      %dma_wait3A = arith.constant 0 : i32
      %dma_wait3A_129 = tpu.memref_slice %arg4[%add3A_25, %dma_wait3A] : memref<1280x128xi32, #tpu.memory_space<hbm>> -> memref<40x128xi32, #tpu.memory_space<hbm>>
      %dma_wait3A_130 = arith.constant 0 : i32
      %dma_wait3A_131 = tpu.memref_slice %arg4[%add3A_25, %dma_wait3A_130] : memref<1280x128xi32, #tpu.memory_space<hbm>> -> memref<40x128xi32, #tpu.memory_space<hbm>>
      tpu.wait_dma2 semaphore(%run_scoped3A : memref<!tpu.dma_semaphore, #tpu.memory_space<semaphore_mem>>) src(%dma_wait3A_131 : memref<40x128xi32, #tpu.memory_space<hbm>>) dst(%arg7 : memref<40x128xi32, #tpu.memory_space<vmem>>)
      tpu.yield
    }) : () -> ()
    %scan3A_26 = arith.constant 0 : i32
    %scan3A_27 = arith.constant 40 : i32
    %scan3A_28 = arith.addi %scan3A_26, %scan3A_27 : i32
    %scan3A_29 = arith.constant 1 : i32
    scf.for %scan3A_126 = %scan3A_26 to %scan3A_28 step %scan3A_29  : i32 {
      %mul3A_127 = arith.constant 1 : i32
      %mul3A_128 = arith.muli %scan3A_126, %mul3A_127 : i32
      %add3A_129 = arith.constant 0 : i32
      %add3A_130 = arith.addi %add3A_129, %mul3A_128 : i32
      %get3A = arith.index_cast %add3A_130 : i32 to index
      %get3A_131 = arith.constant 0 : index
      %get3A_132 = tpu.vector_load %arg6[%get3A, %get3A_131] {strides = array<i32>} : memref<40x128xi32, #tpu.memory_space<vmem>>, vector<1x16xi32>,
      %get3A_133 = vector.shape_cast %get3A_132 : vector<1x16xi32> to vector<16xi32>
      %add3A_134 = arith.addi %get3A_133, %get3A_133 : vector<16xi32>
      %add3A_135 = vector.broadcast %arg0 : i32 to vector<16xi32>
      %add3A_136 = arith.addi %add3A_134, %add3A_135 : vector<16xi32>
      %swap3A = arith.index_cast %add3A_130 : i32 to index
      %swap3A_137 = arith.constant 0 : index
      %swap3A_138 = tpu.vector_load %arg6[%swap3A, %swap3A_137] {strides = array<i32>} : memref<40x128xi32, #tpu.memory_space<vmem>>, vector<1x16xi32>,
      %swap3A_139 = vector.shape_cast %swap3A_138 : vector<1x16xi32> to vector<16xi32>
      %swap3A_140 = vector.shape_cast %add3A_136 : vector<16xi32> to vector<1x16xi32>
      tpu.vector_store %arg6[%swap3A, %swap3A_137], %swap3A_140 {strides = array<i32>} : memref<40x128xi32, #tpu.memory_space<vmem>>, vector<1x16xi32>,
      %get3A_141 = arith.index_cast %add3A_130 : i32 to index
      %get3A_142 = arith.constant 16 : index
      %get3A_143 = tpu.vector_load %arg6[%get3A_141, %get3A_142] {strides = array<i32>} : memref<40x128xi32, #tpu.memory_space<vmem>>, vector<1x16xi32>,
      %get3A_144 = vector.shape_cast %get3A_143 : vector<1x16xi32> to vector<16xi32>
      %add3A_145 = arith.addi %get3A_144, %get3A_144 : vector<16xi32>
      %add3A_146 = vector.broadcast %arg0 : i32 to vector<16xi32>
      %add3A_147 = arith.addi %add3A_145, %add3A_146 : vector<16xi32>
      %swap3A_148 = arith.index_cast %add3A_130 : i32 to index
      %swap3A_149 = arith.constant 16 : index
      %swap3A_150 = tpu.vector_load %arg6[%swap3A_148, %swap3A_149] {strides = array<i32>} : memref<40x128xi32, #tpu.memory_space<vmem>>, vector<1x16xi32>,
      %swap3A_151 = vector.shape_cast %swap3A_150 : vector<1x16xi32> to vector<16xi32>
      %swap3A_152 = vector.shape_cast %add3A_147 : vector<16xi32> to vector<1x16xi32>
      tpu.vector_store %arg6[%swap3A_148, %swap3A_149], %swap3A_152 {strides = array<i32>} : memref<40x128xi32, #tpu.memory_space<vmem>>, vector<1x16xi32>,
      %get3A_153 = arith.index_cast %add3A_130 : i32 to index
      %get3A_154 = arith.constant 32 : index
      %get3A_155 = tpu.vector_load %arg6[%get3A_153, %get3A_154] {strides = array<i32>} : memref<40x128xi32, #tpu.memory_space<vmem>>, vector<1x16xi32>,
      %get3A_156 = vector.shape_cast %get3A_155 : vector<1x16xi32> to vector<16xi32>
      %add3A_157 = arith.addi %get3A_156, %get3A_156 : vector<16xi32>
      %add3A_158 = vector.broadcast %arg0 : i32 to vector<16xi32>
      %add3A_159 = arith.addi %add3A_157, %add3A_158 : vector<16xi32>
      %swap3A_160 = arith.index_cast %add3A_130 : i32 to index
      %swap3A_161 = arith.constant 32 : index
      %swap3A_162 = tpu.vector_load %arg6[%swap3A_160, %swap3A_161] {strides = array<i32>} : memref<40x128xi32, #tpu.memory_space<vmem>>, vector<1x16xi32>,
      %swap3A_163 = vector.shape_cast %swap3A_162 : vector<1x16xi32> to vector<16xi32>
      %swap3A_164 = vector.shape_cast %add3A_159 : vector<16xi32> to vector<1x16xi32>
      tpu.vector_store %arg6[%swap3A_160, %swap3A_161], %swap3A_164 {strides = array<i32>} : memref<40x128xi32, #tpu.memory_space<vmem>>, vector<1x16xi32>,
      %get3A_165 = arith.index_cast %add3A_130 : i32 to index
      %get3A_166 = arith.constant 48 : index
      %get3A_167 = tpu.vector_load %arg6[%get3A_165, %get3A_166] {strides = array<i32>} : memref<40x128xi32, #tpu.memory_space<vmem>>, vector<1x16xi32>,
      %get3A_168 = vector.shape_cast %get3A_167 : vector<1x16xi32> to vector<16xi32>
      %add3A_169 = arith.addi %get3A_168, %get3A_168 : vector<16xi32>
      %add3A_170 = vector.broadcast %arg0 : i32 to vector<16xi32>
      %add3A_171 = arith.addi %add3A_169, %add3A_170 : vector<16xi32>
      %swap3A_172 = arith.index_cast %add3A_130 : i32 to index
      %swap3A_173 = arith.constant 48 : index
      %swap3A_174 = tpu.vector_load %arg6[%swap3A_172, %swap3A_173] {strides = array<i32>} : memref<40x128xi32, #tpu.memory_space<vmem>>, vector<1x16xi32>,
      %swap3A_175 = vector.shape_cast %swap3A_174 : vector<1x16xi32> to vector<16xi32>
      %swap3A_176 = vector.shape_cast %add3A_171 : vector<16xi32> to vector<1x16xi32>
      tpu.vector_store %arg6[%swap3A_172, %swap3A_173], %swap3A_176 {strides = array<i32>} : memref<40x128xi32, #tpu.memory_space<vmem>>, vector<1x16xi32>,
      %get3A_177 = arith.index_cast %add3A_130 : i32 to index
      %get3A_178 = arith.constant 64 : index
      %get3A_179 = tpu.vector_load %arg6[%get3A_177, %get3A_178] {strides = array<i32>} : memref<40x128xi32, #tpu.memory_space<vmem>>, vector<1x16xi32>,
      %get3A_180 = vector.shape_cast %get3A_179 : vector<1x16xi32> to vector<16xi32>
      %add3A_181 = arith.addi %get3A_180, %get3A_180 : vector<16xi32>
      %add3A_182 = vector.broadcast %arg0 : i32 to vector<16xi32>
      %add3A_183 = arith.addi %add3A_181, %add3A_182 : vector<16xi32>
      %swap3A_184 = arith.index_cast %add3A_130 : i32 to index
      %swap3A_185 = arith.constant 64 : index
      %swap3A_186 = tpu.vector_load %arg6[%swap3A_184, %swap3A_185] {strides = array<i32>} : memref<40x128xi32, #tpu.memory_space<vmem>>, vector<1x16xi32>,
      %swap3A_187 = vector.shape_cast %swap3A_186 : vector<1x16xi32> to vector<16xi32>
      %swap3A_188 = vector.shape_cast %add3A_183 : vector<16xi32> to vector<1x16xi32>
      tpu.vector_store %arg6[%swap3A_184, %swap3A_185], %swap3A_188 {strides = array<i32>} : memref<40x128xi32, #tpu.memory_space<vmem>>, vector<1x16xi32>,
      %get3A_189 = arith.index_cast %add3A_130 : i32 to index
      %get3A_190 = arith.constant 80 : index
      %get3A_191 = tpu.vector_load %arg6[%get3A_189, %get3A_190] {strides = array<i32>} : memref<40x128xi32, #tpu.memory_space<vmem>>, vector<1x16xi32>,
      %get3A_192 = vector.shape_cast %get3A_191 : vector<1x16xi32> to vector<16xi32>
      %add3A_193 = arith.addi %get3A_192, %get3A_192 : vector<16xi32>
      %add3A_194 = vector.broadcast %arg0 : i32 to vector<16xi32>
      %add3A_195 = arith.addi %add3A_193, %add3A_194 : vector<16xi32>
      %swap3A_196 = arith.index_cast %add3A_130 : i32 to index
      %swap3A_197 = arith.constant 80 : index
      %swap3A_198 = tpu.vector_load %arg6[%swap3A_196, %swap3A_197] {strides = array<i32>} : memref<40x128xi32, #tpu.memory_space<vmem>>, vector<1x16xi32>,
      %swap3A_199 = vector.shape_cast %swap3A_198 : vector<1x16xi32> to vector<16xi32>
      %swap3A_200 = vector.shape_cast %add3A_195 : vector<16xi32> to vector<1x16xi32>
      tpu.vector_store %arg6[%swap3A_196, %swap3A_197], %swap3A_200 {strides = array<i32>} : memref<40x128xi32, #tpu.memory_space<vmem>>, vector<1x16xi32>,
      %get3A_201 = arith.index_cast %add3A_130 : i32 to index
      %get3A_202 = arith.constant 96 : index
      %get3A_203 = tpu.vector_load %arg6[%get3A_201, %get3A_202] {strides = array<i32>} : memref<40x128xi32, #tpu.memory_space<vmem>>, vector<1x16xi32>,
      %get3A_204 = vector.shape_cast %get3A_203 : vector<1x16xi32> to vector<16xi32>
      %add3A_205 = arith.addi %get3A_204, %get3A_204 : vector<16xi32>
      %add3A_206 = vector.broadcast %arg0 : i32 to vector<16xi32>
      %add3A_207 = arith.addi %add3A_205, %add3A_206 : vector<16xi32>
      %swap3A_208 = arith.index_cast %add3A_130 : i32 to index
      %swap3A_209 = arith.constant 96 : index
      %swap3A_210 = tpu.vector_load %arg6[%swap3A_208, %swap3A_209] {strides = array<i32>} : memref<40x128xi32, #tpu.memory_space<vmem>>, vector<1x16xi32>,
      %swap3A_211 = vector.shape_cast %swap3A_210 : vector<1x16xi32> to vector<16xi32>
      %swap3A_212 = vector.shape_cast %add3A_207 : vector<16xi32> to vector<1x16xi32>
      tpu.vector_store %arg6[%swap3A_208, %swap3A_209], %swap3A_212 {strides = array<i32>} : memref<40x128xi32, #tpu.memory_space<vmem>>, vector<1x16xi32>,
      %get3A_213 = arith.index_cast %add3A_130 : i32 to index
      %get3A_214 = arith.constant 112 : index
      %get3A_215 = tpu.vector_load %arg6[%get3A_213, %get3A_214] {strides = array<i32>} : memref<40x128xi32, #tpu.memory_space<vmem>>, vector<1x16xi32>,
      %get3A_216 = vector.shape_cast %get3A_215 : vector<1x16xi32> to vector<16xi32>
      %add3A_217 = arith.addi %get3A_216, %get3A_216 : vector<16xi32>
      %add3A_218 = vector.broadcast %arg0 : i32 to vector<16xi32>
      %add3A_219 = arith.addi %add3A_217, %add3A_218 : vector<16xi32>
      %swap3A_220 = arith.index_cast %add3A_130 : i32 to index
      %swap3A_221 = arith.constant 112 : index
      %swap3A_222 = tpu.vector_load %arg6[%swap3A_220, %swap3A_221] {strides = array<i32>} : memref<40x128xi32, #tpu.memory_space<vmem>>, vector<1x16xi32>,
      %swap3A_223 = vector.shape_cast %swap3A_222 : vector<1x16xi32> to vector<16xi32>
      %swap3A_224 = vector.shape_cast %add3A_219 : vector<16xi32> to vector<1x16xi32>
      tpu.vector_store %arg6[%swap3A_220, %swap3A_221], %swap3A_224 {strides = array<i32>} : memref<40x128xi32, #tpu.memory_space<vmem>>, vector<1x16xi32>,
    }
    %scan3A_30 = arith.constant 40 : i32
    %gt3A = arith.constant 0 : i32
    %gt3A_31 = arith.cmpi sgt, %min3A, %gt3A : i32
    %convert_element_type3A_32 = arith.extui %gt3A_31 : i1 to i32
    %cond3A_33 = arith.constant 0 : i32
    %cond3A_34 = arith.cmpi ne, %convert_element_type3A_32, %cond3A_33 : i32
    scf.if %cond3A_34 {
      %dma_start3A = arith.constant 0 : i32
      %dma_start3A_126 = arith.constant 0 : i32
      %dma_start3A_127 = tpu.memref_slice %arg6[%dma_start3A, %dma_start3A_126] : memref<40x128xi32, #tpu.memory_space<vmem>> -> memref<1x128xi32, #tpu.memory_space<vmem>>
      %dma_start3A_128 = tpu.memref_squeeze %dma_start3A_127 : memref<1x128xi32, #tpu.memory_space<vmem>> -> memref<128xi32, #tpu.memory_space<vmem>>
      %dma_start3A_129 = arith.constant 0 : i32
      %dma_start3A_130 = arith.constant 0 : i32
      %dma_start3A_131 = tpu.memref_slice %arg2[%dma_start3A_129, %dma_start3A_130] : memref<20000x128xf32, #tpu.memory_space<hbm>> -> memref<20000x128xf32, #tpu.memory_space<hbm>>
      tpu.enqueue_indirect_dma source(%dma_start3A_131 : memref<20000x128xf32, #tpu.memory_space<hbm>>) target(%arg8 : memref<128x128xf32, #tpu.memory_space<vmem>>) offsets(%dma_start3A_128 : memref<128xi32, #tpu.memory_space<vmem>>) semaphore(%arg10 : memref<!tpu.dma_semaphore, #tpu.memory_space<semaphore_mem>>)
    } else {
    }
    %gt3A_35 = arith.constant 1 : i32
    %gt3A_36 = arith.cmpi sgt, %min3A, %gt3A_35 : i32
    %convert_element_type3A_37 = arith.extui %gt3A_36 : i1 to i32
    %cond3A_38 = arith.constant 0 : i32
    %cond3A_39 = arith.cmpi ne, %convert_element_type3A_37, %cond3A_38 : i32
    scf.if %cond3A_39 {
      %dma_start3A = arith.constant 1 : i32
      %dma_start3A_126 = arith.constant 0 : i32
      %dma_start3A_127 = tpu.memref_slice %arg6[%dma_start3A, %dma_start3A_126] : memref<40x128xi32, #tpu.memory_space<vmem>> -> memref<1x128xi32, #tpu.memory_space<vmem>>
      %dma_start3A_128 = tpu.memref_squeeze %dma_start3A_127 : memref<1x128xi32, #tpu.memory_space<vmem>> -> memref<128xi32, #tpu.memory_space<vmem>>
      %dma_start3A_129 = arith.constant 0 : i32
      %dma_start3A_130 = arith.constant 0 : i32
      %dma_start3A_131 = tpu.memref_slice %arg2[%dma_start3A_129, %dma_start3A_130] : memref<20000x128xf32, #tpu.memory_space<hbm>> -> memref<20000x128xf32, #tpu.memory_space<hbm>>
      tpu.enqueue_indirect_dma source(%dma_start3A_131 : memref<20000x128xf32, #tpu.memory_space<hbm>>) target(%arg9 : memref<128x128xf32, #tpu.memory_space<vmem>>) offsets(%dma_start3A_128 : memref<128xi32, #tpu.memory_space<vmem>>) semaphore(%arg11 : memref<!tpu.dma_semaphore, #tpu.memory_space<semaphore_mem>>)
    } else {
    }
    %scan3A_40 = arith.constant 0 : i32
    %scan3A_41 = arith.constant 20 : i32
    %scan3A_42 = arith.addi %scan3A_40, %scan3A_41 : i32
    %scan3A_43 = arith.constant 1 : i32
    scf.for %scan3A_126 = %scan3A_40 to %scan3A_42 step %scan3A_43  : i32 {
      %mul3A_127 = arith.constant 1 : i32
      %mul3A_128 = arith.muli %scan3A_126, %mul3A_127 : i32
      %add3A_129 = arith.constant 0 : i32
      %add3A_130 = arith.addi %add3A_129, %mul3A_128 : i32
      %mul3A_131 = arith.constant 2 : i32
      %mul3A_132 = arith.muli %add3A_130, %mul3A_131 : i32
      %add3A_133 = arith.constant 0 : i32
      %add3A_134 = arith.addi %mul3A_132, %add3A_133 : i32
      %lt3A_135 = arith.cmpi slt, %add3A_134, %min3A : i32
      %convert_element_type3A_136 = arith.extui %lt3A_135 : i1 to i32
      %cond3A_137 = arith.constant 0 : i32
      %cond3A_138 = arith.cmpi ne, %convert_element_type3A_136, %cond3A_137 : i32
      scf.if %cond3A_138 {
        %dma_wait3A = arith.constant 0 : i32
        %dma_wait3A_159 = tpu.memref_slice %arg6[%add3A_134, %dma_wait3A] : memref<40x128xi32, #tpu.memory_space<vmem>> -> memref<1x128xi32, #tpu.memory_space<vmem>>
        %dma_wait3A_160 = tpu.memref_squeeze %dma_wait3A_159 : memref<1x128xi32, #tpu.memory_space<vmem>> -> memref<128xi32, #tpu.memory_space<vmem>>
        %dma_wait3A_161 = arith.constant 0 : i32
        %dma_wait3A_162 = arith.constant 0 : i32
        %dma_wait3A_163 = tpu.memref_slice %arg2[%dma_wait3A_161, %dma_wait3A_162] : memref<20000x128xf32, #tpu.memory_space<hbm>> -> memref<20000x128xf32, #tpu.memory_space<hbm>>
        tpu.wait_indirect_dma semaphore(%arg10 : memref<!tpu.dma_semaphore, #tpu.memory_space<semaphore_mem>>) src(%dma_wait3A_163 : memref<20000x128xf32, #tpu.memory_space<hbm>>) dst(%arg8 : memref<128x128xf32, #tpu.memory_space<vmem>>)
        %dma_start3A = arith.constant 0 : i32
        %dma_start3A_164 = tpu.memref_slice %arg7[%add3A_134, %dma_start3A] : memref<40x128xi32, #tpu.memory_space<vmem>> -> memref<1x128xi32, #tpu.memory_space<vmem>>
        %dma_start3A_165 = tpu.memref_squeeze %dma_start3A_164 : memref<1x128xi32, #tpu.memory_space<vmem>> -> memref<128xi32, #tpu.memory_space<vmem>>
        %dma_start3A_166 = arith.constant 0 : i32
        %dma_start3A_167 = arith.constant 0 : i32
        %dma_start3A_168 = tpu.memref_slice %arg14[%dma_start3A_166, %dma_start3A_167] : memref<10000x128xf32, #tpu.memory_space<vmem_shared>> -> memref<10000x128xf32, #tpu.memory_space<vmem_shared>>
        tpu.enqueue_indirect_dma source(%arg8 : memref<128x128xf32, #tpu.memory_space<vmem>>) target(%dma_start3A_168 : memref<10000x128xf32, #tpu.memory_space<vmem_shared>>) offsets(%dma_start3A_165 : memref<128xi32, #tpu.memory_space<vmem>>) semaphore(%arg12 : memref<!tpu.dma_semaphore, #tpu.memory_space<semaphore_mem>>) {add = true}
      } else {
      }
      %add3A_139 = arith.constant 2 : i32
      %add3A_140 = arith.addi %add3A_134, %add3A_139 : i32
      %lt3A_141 = arith.cmpi slt, %add3A_140, %min3A : i32
      %convert_element_type3A_142 = arith.extui %lt3A_141 : i1 to i32
      %cond3A_143 = arith.constant 0 : i32
      %cond3A_144 = arith.cmpi ne, %convert_element_type3A_142, %cond3A_143 : i32
      scf.if %cond3A_144 {
        %dma_wait3A = arith.constant 0 : i32
        %dma_wait3A_159 = tpu.memref_slice %arg7[%add3A_134, %dma_wait3A] : memref<40x128xi32, #tpu.memory_space<vmem>> -> memref<1x128xi32, #tpu.memory_space<vmem>>
        %dma_wait3A_160 = tpu.memref_squeeze %dma_wait3A_159 : memref<1x128xi32, #tpu.memory_space<vmem>> -> memref<128xi32, #tpu.memory_space<vmem>>
        %dma_wait3A_161 = arith.constant 0 : i32
        %dma_wait3A_162 = arith.constant 0 : i32
        %dma_wait3A_163 = tpu.memref_slice %arg14[%dma_wait3A_161, %dma_wait3A_162] : memref<10000x128xf32, #tpu.memory_space<vmem_shared>> -> memref<10000x128xf32, #tpu.memory_space<vmem_shared>>
        tpu.wait_indirect_dma semaphore(%arg12 : memref<!tpu.dma_semaphore, #tpu.memory_space<semaphore_mem>>) src(%arg8 : memref<128x128xf32, #tpu.memory_space<vmem>>) dst(%dma_wait3A_163 : memref<10000x128xf32, #tpu.memory_space<vmem_shared>>)
        %dma_start3A = arith.constant 0 : i32
        %dma_start3A_164 = tpu.memref_slice %arg6[%add3A_140, %dma_start3A] : memref<40x128xi32, #tpu.memory_space<vmem>> -> memref<1x128xi32, #tpu.memory_space<vmem>>
        %dma_start3A_165 = tpu.memref_squeeze %dma_start3A_164 : memref<1x128xi32, #tpu.memory_space<vmem>> -> memref<128xi32, #tpu.memory_space<vmem>>
        %dma_start3A_166 = arith.constant 0 : i32
        %dma_start3A_167 = arith.constant 0 : i32
        %dma_start3A_168 = tpu.memref_slice %arg2[%dma_start3A_166, %dma_start3A_167] : memref<20000x128xf32, #tpu.memory_space<hbm>> -> memref<20000x128xf32, #tpu.memory_space<hbm>>
        tpu.enqueue_indirect_dma source(%dma_start3A_168 : memref<20000x128xf32, #tpu.memory_space<hbm>>) target(%arg8 : memref<128x128xf32, #tpu.memory_space<vmem>>) offsets(%dma_start3A_165 : memref<128xi32, #tpu.memory_space<vmem>>) semaphore(%arg10 : memref<!tpu.dma_semaphore, #tpu.memory_space<semaphore_mem>>)
      } else {
      }
      %mul3A_145 = arith.constant 2 : i32
      %mul3A_146 = arith.muli %add3A_130, %mul3A_145 : i32
      %add3A_147 = arith.constant 1 : i32
      %add3A_148 = arith.addi %mul3A_146, %add3A_147 : i32
      %lt3A_149 = arith.cmpi slt, %add3A_148, %min3A : i32
      %convert_element_type3A_150 = arith.extui %lt3A_149 : i1 to i32
      %cond3A_151 = arith.constant 0 : i32
      %cond3A_152 = arith.cmpi ne, %convert_element_type3A_150, %cond3A_151 : i32
      scf.if %cond3A_152 {
        %dma_wait3A = arith.constant 0 : i32
        %dma_wait3A_159 = tpu.memref_slice %arg6[%add3A_148, %dma_wait3A] : memref<40x128xi32, #tpu.memory_space<vmem>> -> memref<1x128xi32, #tpu.memory_space<vmem>>
        %dma_wait3A_160 = tpu.memref_squeeze %dma_wait3A_159 : memref<1x128xi32, #tpu.memory_space<vmem>> -> memref<128xi32, #tpu.memory_space<vmem>>
        %dma_wait3A_161 = arith.constant 0 : i32
        %dma_wait3A_162 = arith.constant 0 : i32
        %dma_wait3A_163 = tpu.memref_slice %arg2[%dma_wait3A_161, %dma_wait3A_162] : memref<20000x128xf32, #tpu.memory_space<hbm>> -> memref<20000x128xf32, #tpu.memory_space<hbm>>
        tpu.wait_indirect_dma semaphore(%arg11 : memref<!tpu.dma_semaphore, #tpu.memory_space<semaphore_mem>>) src(%dma_wait3A_163 : memref<20000x128xf32, #tpu.memory_space<hbm>>) dst(%arg9 : memref<128x128xf32, #tpu.memory_space<vmem>>)
        %dma_start3A = arith.constant 0 : i32
        %dma_start3A_164 = tpu.memref_slice %arg7[%add3A_148, %dma_start3A] : memref<40x128xi32, #tpu.memory_space<vmem>> -> memref<1x128xi32, #tpu.memory_space<vmem>>
        %dma_start3A_165 = tpu.memref_squeeze %dma_start3A_164 : memref<1x128xi32, #tpu.memory_space<vmem>> -> memref<128xi32, #tpu.memory_space<vmem>>
        %dma_start3A_166 = arith.constant 0 : i32
        %dma_start3A_167 = arith.constant 0 : i32
        %dma_start3A_168 = tpu.memref_slice %arg14[%dma_start3A_166, %dma_start3A_167] : memref<10000x128xf32, #tpu.memory_space<vmem_shared>> -> memref<10000x128xf32, #tpu.memory_space<vmem_shared>>
        tpu.enqueue_indirect_dma source(%arg9 : memref<128x128xf32, #tpu.memory_space<vmem>>) target(%dma_start3A_168 : memref<10000x128xf32, #tpu.memory_space<vmem_shared>>) offsets(%dma_start3A_165 : memref<128xi32, #tpu.memory_space<vmem>>) semaphore(%arg13 : memref<!tpu.dma_semaphore, #tpu.memory_space<semaphore_mem>>) {add = true}
      } else {
      }
      %add3A_153 = arith.constant 2 : i32
      %add3A_154 = arith.addi %add3A_148, %add3A_153 : i32
      %lt3A_155 = arith.cmpi slt, %add3A_154, %min3A : i32
      %convert_element_type3A_156 = arith.extui %lt3A_155 : i1 to i32
      %cond3A_157 = arith.constant 0 : i32
      %cond3A_158 = arith.cmpi ne, %convert_element_type3A_156, %cond3A_157 : i32
      scf.if %cond3A_158 {
        %dma_wait3A = arith.constant 0 : i32
        %dma_wait3A_159 = tpu.memref_slice %arg7[%add3A_148, %dma_wait3A] : memref<40x128xi32, #tpu.memory_space<vmem>> -> memref<1x128xi32, #tpu.memory_space<vmem>>
        %dma_wait3A_160 = tpu.memref_squeeze %dma_wait3A_159 : memref<1x128xi32, #tpu.memory_space<vmem>> -> memref<128xi32, #tpu.memory_space<vmem>>
        %dma_wait3A_161 = arith.constant 0 : i32
        %dma_wait3A_162 = arith.constant 0 : i32
        %dma_wait3A_163 = tpu.memref_slice %arg14[%dma_wait3A_161, %dma_wait3A_162] : memref<10000x128xf32, #tpu.memory_space<vmem_shared>> -> memref<10000x128xf32, #tpu.memory_space<vmem_shared>>
        tpu.wait_indirect_dma semaphore(%arg13 : memref<!tpu.dma_semaphore, #tpu.memory_space<semaphore_mem>>) src(%arg9 : memref<128x128xf32, #tpu.memory_space<vmem>>) dst(%dma_wait3A_163 : memref<10000x128xf32, #tpu.memory_space<vmem_shared>>)
        %dma_start3A = arith.constant 0 : i32
        %dma_start3A_164 = tpu.memref_slice %arg6[%add3A_154, %dma_start3A] : memref<40x128xi32, #tpu.memory_space<vmem>> -> memref<1x128xi32, #tpu.memory_space<vmem>>
        %dma_start3A_165 = tpu.memref_squeeze %dma_start3A_164 : memref<1x128xi32, #tpu.memory_space<vmem>> -> memref<128xi32, #tpu.memory_space<vmem>>
        %dma_start3A_166 = arith.constant 0 : i32
        %dma_start3A_167 = arith.constant 0 : i32
        %dma_start3A_168 = tpu.memref_slice %arg2[%dma_start3A_166, %dma_start3A_167] : memref<20000x128xf32, #tpu.memory_space<hbm>> -> memref<20000x128xf32, #tpu.memory_space<hbm>>
        tpu.enqueue_indirect_dma source(%dma_start3A_168 : memref<20000x128xf32, #tpu.memory_space<hbm>>) target(%arg9 : memref<128x128xf32, #tpu.memory_space<vmem>>) offsets(%dma_start3A_165 : memref<128xi32, #tpu.memory_space<vmem>>) semaphore(%arg11 : memref<!tpu.dma_semaphore, #tpu.memory_space<semaphore_mem>>)
      } else {
      }
    }
    %scan3A_44 = arith.constant 20 : i32
    %sub3A_45 = arith.constant 2 : i32
    %sub3A_46 = arith.subi %min3A, %sub3A_45 : i32
    %max3A_47 = arith.constant 0 : i32
    %max3A_48 = arith.maxsi %sub3A_46, %max3A_47 : i32
    %add3A_49 = arith.constant 0 : i32
    %add3A_50 = arith.addi %max3A_48, %add3A_49 : i32
    %lt3A_51 = arith.cmpi slt, %add3A_50, %min3A : i32
    %convert_element_type3A_52 = arith.extui %lt3A_51 : i1 to i32
    %cond3A_53 = arith.constant 0 : i32
    %cond3A_54 = arith.cmpi ne, %convert_element_type3A_52, %cond3A_53 : i32
    scf.if %cond3A_54 {
      %dma_wait3A = arith.constant 0 : i32
      %dma_wait3A_126 = arith.constant 0 : i32
      %dma_wait3A_127 = tpu.memref_slice %arg7[%dma_wait3A, %dma_wait3A_126] : memref<40x128xi32, #tpu.memory_space<vmem>> -> memref<1x128xi32, #tpu.memory_space<vmem>>
      %dma_wait3A_128 = tpu.memref_squeeze %dma_wait3A_127 : memref<1x128xi32, #tpu.memory_space<vmem>> -> memref<128xi32, #tpu.memory_space<vmem>>
      %dma_wait3A_129 = arith.constant 0 : i32
      %dma_wait3A_130 = arith.constant 0 : i32
      %dma_wait3A_131 = tpu.memref_slice %arg14[%dma_wait3A_129, %dma_wait3A_130] : memref<10000x128xf32, #tpu.memory_space<vmem_shared>> -> memref<10000x128xf32, #tpu.memory_space<vmem_shared>>
      tpu.wait_indirect_dma semaphore(%arg12 : memref<!tpu.dma_semaphore, #tpu.memory_space<semaphore_mem>>) src(%arg8 : memref<128x128xf32, #tpu.memory_space<vmem>>) dst(%dma_wait3A_131 : memref<10000x128xf32, #tpu.memory_space<vmem_shared>>)
    } else {
    }
    %sub3A_55 = arith.constant 2 : i32
    %sub3A_56 = arith.subi %min3A, %sub3A_55 : i32
    %max3A_57 = arith.constant 0 : i32
    %max3A_58 = arith.maxsi %sub3A_56, %max3A_57 : i32
    %add3A_59 = arith.constant 1 : i32
    %add3A_60 = arith.addi %max3A_58, %add3A_59 : i32
    %lt3A_61 = arith.cmpi slt, %add3A_60, %min3A : i32
    %convert_element_type3A_62 = arith.extui %lt3A_61 : i1 to i32
    %cond3A_63 = arith.constant 0 : i32
    %cond3A_64 = arith.cmpi ne, %convert_element_type3A_62, %cond3A_63 : i32
    scf.if %cond3A_64 {
      %dma_wait3A = arith.constant 0 : i32
      %dma_wait3A_126 = arith.constant 0 : i32
      %dma_wait3A_127 = tpu.memref_slice %arg7[%dma_wait3A, %dma_wait3A_126] : memref<40x128xi32, #tpu.memory_space<vmem>> -> memref<1x128xi32, #tpu.memory_space<vmem>>
      %dma_wait3A_128 = tpu.memref_squeeze %dma_wait3A_127 : memref<1x128xi32, #tpu.memory_space<vmem>> -> memref<128xi32, #tpu.memory_space<vmem>>
      %dma_wait3A_129 = arith.constant 0 : i32
      %dma_wait3A_130 = arith.constant 0 : i32
      %dma_wait3A_131 = tpu.memref_slice %arg14[%dma_wait3A_129, %dma_wait3A_130] : memref<10000x128xf32, #tpu.memory_space<vmem_shared>> -> memref<10000x128xf32, #tpu.memory_space<vmem_shared>>
      tpu.wait_indirect_dma semaphore(%arg13 : memref<!tpu.dma_semaphore, #tpu.memory_space<semaphore_mem>>) src(%arg9 : memref<128x128xf32, #tpu.memory_space<vmem>>) dst(%dma_wait3A_131 : memref<10000x128xf32, #tpu.memory_space<vmem_shared>>)
    } else {
    }
    %sub3A_65 = arith.constant 40 : i32
    %sub3A_66 = arith.subi %select_n3A_4, %sub3A_65 : i32
    %jit3A_67 = arith.constant 0 : i32
    %jit3A_68 = arith.constant 40 : i32
    %max3A_69 = arith.maxsi %jit3A_67, %sub3A_66 : i32
    %min3A_70 = arith.minsi %jit3A_68, %max3A_69 : i32
    %add3A_71 = arith.constant 40 : i32
    %add3A_72 = arith.addi %mul3A_5, %add3A_71 : i32
    "tpu.region"() ({
      %run_scoped3A = tpu.sem_alloc : memref<!tpu.dma_semaphore, #tpu.memory_space<semaphore_mem>>
      %dma_start3A = arith.constant 0 : i32
      %dma_start3A_126 = tpu.memref_slice %arg3[%add3A_72, %dma_start3A] : memref<1280x128xi32, #tpu.memory_space<hbm>> -> memref<40x128xi32, #tpu.memory_space<hbm>>
      %dma_start3A_127 = arith.constant 0 : i32
      %dma_start3A_128 = tpu.memref_slice %arg3[%add3A_72, %dma_start3A_127] : memref<1280x128xi32, #tpu.memory_space<hbm>> -> memref<40x128xi32, #tpu.memory_space<hbm>>
      tpu.enqueue_dma source(%dma_start3A_128 : memref<40x128xi32, #tpu.memory_space<hbm>>) target(%arg6 : memref<40x128xi32, #tpu.memory_space<vmem>>) target_semaphore(%run_scoped3A : memref<!tpu.dma_semaphore, #tpu.memory_space<semaphore_mem>>)
      %dma_wait3A = arith.constant 0 : i32
      %dma_wait3A_129 = tpu.memref_slice %arg3[%add3A_72, %dma_wait3A] : memref<1280x128xi32, #tpu.memory_space<hbm>> -> memref<40x128xi32, #tpu.memory_space<hbm>>
      %dma_wait3A_130 = arith.constant 0 : i32
      %dma_wait3A_131 = tpu.memref_slice %arg3[%add3A_72, %dma_wait3A_130] : memref<1280x128xi32, #tpu.memory_space<hbm>> -> memref<40x128xi32, #tpu.memory_space<hbm>>
      tpu.wait_dma2 semaphore(%run_scoped3A : memref<!tpu.dma_semaphore, #tpu.memory_space<semaphore_mem>>) src(%dma_wait3A_131 : memref<40x128xi32, #tpu.memory_space<hbm>>) dst(%arg6 : memref<40x128xi32, #tpu.memory_space<vmem>>)
      tpu.yield
    }) : () -> ()
    %add3A_73 = arith.constant 40 : i32
    %add3A_74 = arith.addi %mul3A_5, %add3A_73 : i32
    "tpu.region"() ({
      %run_scoped3A = tpu.sem_alloc : memref<!tpu.dma_semaphore, #tpu.memory_space<semaphore_mem>>
      %dma_start3A = arith.constant 0 : i32
      %dma_start3A_126 = tpu.memref_slice %arg4[%add3A_74, %dma_start3A] : memref<1280x128xi32, #tpu.memory_space<hbm>> -> memref<40x128xi32, #tpu.memory_space<hbm>>
      %dma_start3A_127 = arith.constant 0 : i32
      %dma_start3A_128 = tpu.memref_slice %arg4[%add3A_74, %dma_start3A_127] : memref<1280x128xi32, #tpu.memory_space<hbm>> -> memref<40x128xi32, #tpu.memory_space<hbm>>
      tpu.enqueue_dma source(%dma_start3A_128 : memref<40x128xi32, #tpu.memory_space<hbm>>) target(%arg7 : memref<40x128xi32, #tpu.memory_space<vmem>>) target_semaphore(%run_scoped3A : memref<!tpu.dma_semaphore, #tpu.memory_space<semaphore_mem>>)
      %dma_wait3A = arith.constant 0 : i32
      %dma_wait3A_129 = tpu.memref_slice %arg4[%add3A_74, %dma_wait3A] : memref<1280x128xi32, #tpu.memory_space<hbm>> -> memref<40x128xi32, #tpu.memory_space<hbm>>
      %dma_wait3A_130 = arith.constant 0 : i32
      %dma_wait3A_131 = tpu.memref_slice %arg4[%add3A_74, %dma_wait3A_130] : memref<1280x128xi32, #tpu.memory_space<hbm>> -> memref<40x128xi32, #tpu.memory_space<hbm>>
      tpu.wait_dma2 semaphore(%run_scoped3A : memref<!tpu.dma_semaphore, #tpu.memory_space<semaphore_mem>>) src(%dma_wait3A_131 : memref<40x128xi32, #tpu.memory_space<hbm>>) dst(%arg7 : memref<40x128xi32, #tpu.memory_space<vmem>>)
      tpu.yield
    }) : () -> ()
    %scan3A_75 = arith.constant 0 : i32
    %scan3A_76 = arith.constant 40 : i32
    %scan3A_77 = arith.addi %scan3A_75, %scan3A_76 : i32
    %scan3A_78 = arith.constant 1 : i32
    scf.for %scan3A_126 = %scan3A_75 to %scan3A_77 step %scan3A_78  : i32 {
      %mul3A_127 = arith.constant 1 : i32
      %mul3A_128 = arith.muli %scan3A_126, %mul3A_127 : i32
      %add3A_129 = arith.constant 0 : i32
      %add3A_130 = arith.addi %add3A_129, %mul3A_128 : i32
      %get3A = arith.index_cast %add3A_130 : i32 to index
      %get3A_131 = arith.constant 0 : index
      %get3A_132 = tpu.vector_load %arg6[%get3A, %get3A_131] {strides = array<i32>} : memref<40x128xi32, #tpu.memory_space<vmem>>, vector<1x16xi32>,
      %get3A_133 = vector.shape_cast %get3A_132 : vector<1x16xi32> to vector<16xi32>
      %add3A_134 = arith.addi %get3A_133, %get3A_133 : vector<16xi32>
      %add3A_135 = vector.broadcast %arg0 : i32 to vector<16xi32>
      %add3A_136 = arith.addi %add3A_134, %add3A_135 : vector<16xi32>
      %swap3A = arith.index_cast %add3A_130 : i32 to index
      %swap3A_137 = arith.constant 0 : index
      %swap3A_138 = tpu.vector_load %arg6[%swap3A, %swap3A_137] {strides = array<i32>} : memref<40x128xi32, #tpu.memory_space<vmem>>, vector<1x16xi32>,
      %swap3A_139 = vector.shape_cast %swap3A_138 : vector<1x16xi32> to vector<16xi32>
      %swap3A_140 = vector.shape_cast %add3A_136 : vector<16xi32> to vector<1x16xi32>
      tpu.vector_store %arg6[%swap3A, %swap3A_137], %swap3A_140 {strides = array<i32>} : memref<40x128xi32, #tpu.memory_space<vmem>>, vector<1x16xi32>,
      %get3A_141 = arith.index_cast %add3A_130 : i32 to index
      %get3A_142 = arith.constant 16 : index
      %get3A_143 = tpu.vector_load %arg6[%get3A_141, %get3A_142] {strides = array<i32>} : memref<40x128xi32, #tpu.memory_space<vmem>>, vector<1x16xi32>,
      %get3A_144 = vector.shape_cast %get3A_143 : vector<1x16xi32> to vector<16xi32>
      %add3A_145 = arith.addi %get3A_144, %get3A_144 : vector<16xi32>
      %add3A_146 = vector.broadcast %arg0 : i32 to vector<16xi32>
      %add3A_147 = arith.addi %add3A_145, %add3A_146 : vector<16xi32>
      %swap3A_148 = arith.index_cast %add3A_130 : i32 to index
      %swap3A_149 = arith.constant 16 : index
      %swap3A_150 = tpu.vector_load %arg6[%swap3A_148, %swap3A_149] {strides = array<i32>} : memref<40x128xi32, #tpu.memory_space<vmem>>, vector<1x16xi32>,
      %swap3A_151 = vector.shape_cast %swap3A_150 : vector<1x16xi32> to vector<16xi32>
      %swap3A_152 = vector.shape_cast %add3A_147 : vector<16xi32> to vector<1x16xi32>
      tpu.vector_store %arg6[%swap3A_148, %swap3A_149], %swap3A_152 {strides = array<i32>} : memref<40x128xi32, #tpu.memory_space<vmem>>, vector<1x16xi32>,
      %get3A_153 = arith.index_cast %add3A_130 : i32 to index
      %get3A_154 = arith.constant 32 : index
      %get3A_155 = tpu.vector_load %arg6[%get3A_153, %get3A_154] {strides = array<i32>} : memref<40x128xi32, #tpu.memory_space<vmem>>, vector<1x16xi32>,
      %get3A_156 = vector.shape_cast %get3A_155 : vector<1x16xi32> to vector<16xi32>
      %add3A_157 = arith.addi %get3A_156, %get3A_156 : vector<16xi32>
      %add3A_158 = vector.broadcast %arg0 : i32 to vector<16xi32>
      %add3A_159 = arith.addi %add3A_157, %add3A_158 : vector<16xi32>
      %swap3A_160 = arith.index_cast %add3A_130 : i32 to index
      %swap3A_161 = arith.constant 32 : index
      %swap3A_162 = tpu.vector_load %arg6[%swap3A_160, %swap3A_161] {strides = array<i32>} : memref<40x128xi32, #tpu.memory_space<vmem>>, vector<1x16xi32>,
      %swap3A_163 = vector.shape_cast %swap3A_162 : vector<1x16xi32> to vector<16xi32>
      %swap3A_164 = vector.shape_cast %add3A_159 : vector<16xi32> to vector<1x16xi32>
      tpu.vector_store %arg6[%swap3A_160, %swap3A_161], %swap3A_164 {strides = array<i32>} : memref<40x128xi32, #tpu.memory_space<vmem>>, vector<1x16xi32>,
      %get3A_165 = arith.index_cast %add3A_130 : i32 to index
      %get3A_166 = arith.constant 48 : index
      %get3A_167 = tpu.vector_load %arg6[%get3A_165, %get3A_166] {strides = array<i32>} : memref<40x128xi32, #tpu.memory_space<vmem>>, vector<1x16xi32>,
      %get3A_168 = vector.shape_cast %get3A_167 : vector<1x16xi32> to vector<16xi32>
      %add3A_169 = arith.addi %get3A_168, %get3A_168 : vector<16xi32>
      %add3A_170 = vector.broadcast %arg0 : i32 to vector<16xi32>
      %add3A_171 = arith.addi %add3A_169, %add3A_170 : vector<16xi32>
      %swap3A_172 = arith.index_cast %add3A_130 : i32 to index
      %swap3A_173 = arith.constant 48 : index
      %swap3A_174 = tpu.vector_load %arg6[%swap3A_172, %swap3A_173] {strides = array<i32>} : memref<40x128xi32, #tpu.memory_space<vmem>>, vector<1x16xi32>,
      %swap3A_175 = vector.shape_cast %swap3A_174 : vector<1x16xi32> to vector<16xi32>
      %swap3A_176 = vector.shape_cast %add3A_171 : vector<16xi32> to vector<1x16xi32>
      tpu.vector_store %arg6[%swap3A_172, %swap3A_173], %swap3A_176 {strides = array<i32>} : memref<40x128xi32, #tpu.memory_space<vmem>>, vector<1x16xi32>,
      %get3A_177 = arith.index_cast %add3A_130 : i32 to index
      %get3A_178 = arith.constant 64 : index
      %get3A_179 = tpu.vector_load %arg6[%get3A_177, %get3A_178] {strides = array<i32>} : memref<40x128xi32, #tpu.memory_space<vmem>>, vector<1x16xi32>,
      %get3A_180 = vector.shape_cast %get3A_179 : vector<1x16xi32> to vector<16xi32>
      %add3A_181 = arith.addi %get3A_180, %get3A_180 : vector<16xi32>
      %add3A_182 = vector.broadcast %arg0 : i32 to vector<16xi32>
      %add3A_183 = arith.addi %add3A_181, %add3A_182 : vector<16xi32>
      %swap3A_184 = arith.index_cast %add3A_130 : i32 to index
      %swap3A_185 = arith.constant 64 : index
      %swap3A_186 = tpu.vector_load %arg6[%swap3A_184, %swap3A_185] {strides = array<i32>} : memref<40x128xi32, #tpu.memory_space<vmem>>, vector<1x16xi32>,
      %swap3A_187 = vector.shape_cast %swap3A_186 : vector<1x16xi32> to vector<16xi32>
      %swap3A_188 = vector.shape_cast %add3A_183 : vector<16xi32> to vector<1x16xi32>
      tpu.vector_store %arg6[%swap3A_184, %swap3A_185], %swap3A_188 {strides = array<i32>} : memref<40x128xi32, #tpu.memory_space<vmem>>, vector<1x16xi32>,
      %get3A_189 = arith.index_cast %add3A_130 : i32 to index
      %get3A_190 = arith.constant 80 : index
      %get3A_191 = tpu.vector_load %arg6[%get3A_189, %get3A_190] {strides = array<i32>} : memref<40x128xi32, #tpu.memory_space<vmem>>, vector<1x16xi32>,
      %get3A_192 = vector.shape_cast %get3A_191 : vector<1x16xi32> to vector<16xi32>
      %add3A_193 = arith.addi %get3A_192, %get3A_192 : vector<16xi32>
      %add3A_194 = vector.broadcast %arg0 : i32 to vector<16xi32>
      %add3A_195 = arith.addi %add3A_193, %add3A_194 : vector<16xi32>
      %swap3A_196 = arith.index_cast %add3A_130 : i32 to index
      %swap3A_197 = arith.constant 80 : index
      %swap3A_198 = tpu.vector_load %arg6[%swap3A_196, %swap3A_197] {strides = array<i32>} : memref<40x128xi32, #tpu.memory_space<vmem>>, vector<1x16xi32>,
      %swap3A_199 = vector.shape_cast %swap3A_198 : vector<1x16xi32> to vector<16xi32>
      %swap3A_200 = vector.shape_cast %add3A_195 : vector<16xi32> to vector<1x16xi32>
      tpu.vector_store %arg6[%swap3A_196, %swap3A_197], %swap3A_200 {strides = array<i32>} : memref<40x128xi32, #tpu.memory_space<vmem>>, vector<1x16xi32>,
      %get3A_201 = arith.index_cast %add3A_130 : i32 to index
      %get3A_202 = arith.constant 96 : index
      %get3A_203 = tpu.vector_load %arg6[%get3A_201, %get3A_202] {strides = array<i32>} : memref<40x128xi32, #tpu.memory_space<vmem>>, vector<1x16xi32>,
      %get3A_204 = vector.shape_cast %get3A_203 : vector<1x16xi32> to vector<16xi32>
      %add3A_205 = arith.addi %get3A_204, %get3A_204 : vector<16xi32>
      %add3A_206 = vector.broadcast %arg0 : i32 to vector<16xi32>
      %add3A_207 = arith.addi %add3A_205, %add3A_206 : vector<16xi32>
      %swap3A_208 = arith.index_cast %add3A_130 : i32 to index
      %swap3A_209 = arith.constant 96 : index
      %swap3A_210 = tpu.vector_load %arg6[%swap3A_208, %swap3A_209] {strides = array<i32>} : memref<40x128xi32, #tpu.memory_space<vmem>>, vector<1x16xi32>,
      %swap3A_211 = vector.shape_cast %swap3A_210 : vector<1x16xi32> to vector<16xi32>
      %swap3A_212 = vector.shape_cast %add3A_207 : vector<16xi32> to vector<1x16xi32>
      tpu.vector_store %arg6[%swap3A_208, %swap3A_209], %swap3A_212 {strides = array<i32>} : memref<40x128xi32, #tpu.memory_space<vmem>>, vector<1x16xi32>,
      %get3A_213 = arith.index_cast %add3A_130 : i32 to index
      %get3A_214 = arith.constant 112 : index
      %get3A_215 = tpu.vector_load %arg6[%get3A_213, %get3A_214] {strides = array<i32>} : memref<40x128xi32, #tpu.memory_space<vmem>>, vector<1x16xi32>,
      %get3A_216 = vector.shape_cast %get3A_215 : vector<1x16xi32> to vector<16xi32>
      %add3A_217 = arith.addi %get3A_216, %get3A_216 : vector<16xi32>
      %add3A_218 = vector.broadcast %arg0 : i32 to vector<16xi32>
      %add3A_219 = arith.addi %add3A_217, %add3A_218 : vector<16xi32>
      %swap3A_220 = arith.index_cast %add3A_130 : i32 to index
      %swap3A_221 = arith.constant 112 : index
      %swap3A_222 = tpu.vector_load %arg6[%swap3A_220, %swap3A_221] {strides = array<i32>} : memref<40x128xi32, #tpu.memory_space<vmem>>, vector<1x16xi32>,
      %swap3A_223 = vector.shape_cast %swap3A_222 : vector<1x16xi32> to vector<16xi32>
      %swap3A_224 = vector.shape_cast %add3A_219 : vector<16xi32> to vector<1x16xi32>
      tpu.vector_store %arg6[%swap3A_220, %swap3A_221], %swap3A_224 {strides = array<i32>} : memref<40x128xi32, #tpu.memory_space<vmem>>, vector<1x16xi32>,
    }
    %scan3A_79 = arith.constant 40 : i32
    %gt3A_80 = arith.constant 0 : i32
    %gt3A_81 = arith.cmpi sgt, %min3A_70, %gt3A_80 : i32
    %convert_element_type3A_82 = arith.extui %gt3A_81 : i1 to i32
    %cond3A_83 = arith.constant 0 : i32
    %cond3A_84 = arith.cmpi ne, %convert_element_type3A_82, %cond3A_83 : i32
    scf.if %cond3A_84 {
      %dma_start3A = arith.constant 0 : i32
      %dma_start3A_126 = arith.constant 0 : i32
      %dma_start3A_127 = tpu.memref_slice %arg6[%dma_start3A, %dma_start3A_126] : memref<40x128xi32, #tpu.memory_space<vmem>> -> memref<1x128xi32, #tpu.memory_space<vmem>>
      %dma_start3A_128 = tpu.memref_squeeze %dma_start3A_127 : memref<1x128xi32, #tpu.memory_space<vmem>> -> memref<128xi32, #tpu.memory_space<vmem>>
      %dma_start3A_129 = arith.constant 0 : i32
      %dma_start3A_130 = arith.constant 0 : i32
      %dma_start3A_131 = tpu.memref_slice %arg2[%dma_start3A_129, %dma_start3A_130] : memref<20000x128xf32, #tpu.memory_space<hbm>> -> memref<20000x128xf32, #tpu.memory_space<hbm>>
      tpu.enqueue_indirect_dma source(%dma_start3A_131 : memref<20000x128xf32, #tpu.memory_space<hbm>>) target(%arg8 : memref<128x128xf32, #tpu.memory_space<vmem>>) offsets(%dma_start3A_128 : memref<128xi32, #tpu.memory_space<vmem>>) semaphore(%arg10 : memref<!tpu.dma_semaphore, #tpu.memory_space<semaphore_mem>>)
    } else {
    }
    %gt3A_85 = arith.constant 1 : i32
    %gt3A_86 = arith.cmpi sgt, %min3A_70, %gt3A_85 : i32
    %convert_element_type3A_87 = arith.extui %gt3A_86 : i1 to i32
    %cond3A_88 = arith.constant 0 : i32
    %cond3A_89 = arith.cmpi ne, %convert_element_type3A_87, %cond3A_88 : i32
    scf.if %cond3A_89 {
      %dma_start3A = arith.constant 1 : i32
      %dma_start3A_126 = arith.constant 0 : i32
      %dma_start3A_127 = tpu.memref_slice %arg6[%dma_start3A, %dma_start3A_126] : memref<40x128xi32, #tpu.memory_space<vmem>> -> memref<1x128xi32, #tpu.memory_space<vmem>>
      %dma_start3A_128 = tpu.memref_squeeze %dma_start3A_127 : memref<1x128xi32, #tpu.memory_space<vmem>> -> memref<128xi32, #tpu.memory_space<vmem>>
      %dma_start3A_129 = arith.constant 0 : i32
      %dma_start3A_130 = arith.constant 0 : i32
      %dma_start3A_131 = tpu.memref_slice %arg2[%dma_start3A_129, %dma_start3A_130] : memref<20000x128xf32, #tpu.memory_space<hbm>> -> memref<20000x128xf32, #tpu.memory_space<hbm>>
      tpu.enqueue_indirect_dma source(%dma_start3A_131 : memref<20000x128xf32, #tpu.memory_space<hbm>>) target(%arg9 : memref<128x128xf32, #tpu.memory_space<vmem>>) offsets(%dma_start3A_128 : memref<128xi32, #tpu.memory_space<vmem>>) semaphore(%arg11 : memref<!tpu.dma_semaphore, #tpu.memory_space<semaphore_mem>>)
    } else {
    }
    %scan3A_90 = arith.constant 0 : i32
    %scan3A_91 = arith.constant 20 : i32
    %scan3A_92 = arith.addi %scan3A_90, %scan3A_91 : i32
    %scan3A_93 = arith.constant 1 : i32
    scf.for %scan3A_126 = %scan3A_90 to %scan3A_92 step %scan3A_93  : i32 {
      %mul3A_127 = arith.constant 1 : i32
      %mul3A_128 = arith.muli %scan3A_126, %mul3A_127 : i32
      %add3A_129 = arith.constant 0 : i32
      %add3A_130 = arith.addi %add3A_129, %mul3A_128 : i32
      %mul3A_131 = arith.constant 2 : i32
      %mul3A_132 = arith.muli %add3A_130, %mul3A_131 : i32
      %add3A_133 = arith.constant 0 : i32
      %add3A_134 = arith.addi %mul3A_132, %add3A_133 : i32
      %lt3A_135 = arith.cmpi slt, %add3A_134, %min3A_70 : i32
      %convert_element_type3A_136 = arith.extui %lt3A_135 : i1 to i32
      %cond3A_137 = arith.constant 0 : i32
      %cond3A_138 = arith.cmpi ne, %convert_element_type3A_136, %cond3A_137 : i32
      scf.if %cond3A_138 {
        %dma_wait3A = arith.constant 0 : i32
        %dma_wait3A_159 = tpu.memref_slice %arg6[%add3A_134, %dma_wait3A] : memref<40x128xi32, #tpu.memory_space<vmem>> -> memref<1x128xi32, #tpu.memory_space<vmem>>
        %dma_wait3A_160 = tpu.memref_squeeze %dma_wait3A_159 : memref<1x128xi32, #tpu.memory_space<vmem>> -> memref<128xi32, #tpu.memory_space<vmem>>
        %dma_wait3A_161 = arith.constant 0 : i32
        %dma_wait3A_162 = arith.constant 0 : i32
        %dma_wait3A_163 = tpu.memref_slice %arg2[%dma_wait3A_161, %dma_wait3A_162] : memref<20000x128xf32, #tpu.memory_space<hbm>> -> memref<20000x128xf32, #tpu.memory_space<hbm>>
        tpu.wait_indirect_dma semaphore(%arg10 : memref<!tpu.dma_semaphore, #tpu.memory_space<semaphore_mem>>) src(%dma_wait3A_163 : memref<20000x128xf32, #tpu.memory_space<hbm>>) dst(%arg8 : memref<128x128xf32, #tpu.memory_space<vmem>>)
        %dma_start3A = arith.constant 0 : i32
        %dma_start3A_164 = tpu.memref_slice %arg7[%add3A_134, %dma_start3A] : memref<40x128xi32, #tpu.memory_space<vmem>> -> memref<1x128xi32, #tpu.memory_space<vmem>>
        %dma_start3A_165 = tpu.memref_squeeze %dma_start3A_164 : memref<1x128xi32, #tpu.memory_space<vmem>> -> memref<128xi32, #tpu.memory_space<vmem>>
        %dma_start3A_166 = arith.constant 0 : i32
        %dma_start3A_167 = arith.constant 0 : i32
        %dma_start3A_168 = tpu.memref_slice %arg14[%dma_start3A_166, %dma_start3A_167] : memref<10000x128xf32, #tpu.memory_space<vmem_shared>> -> memref<10000x128xf32, #tpu.memory_space<vmem_shared>>
        tpu.enqueue_indirect_dma source(%arg8 : memref<128x128xf32, #tpu.memory_space<vmem>>) target(%dma_start3A_168 : memref<10000x128xf32, #tpu.memory_space<vmem_shared>>) offsets(%dma_start3A_165 : memref<128xi32, #tpu.memory_space<vmem>>) semaphore(%arg12 : memref<!tpu.dma_semaphore, #tpu.memory_space<semaphore_mem>>) {add = true}
      } else {
      }
      %add3A_139 = arith.constant 2 : i32
      %add3A_140 = arith.addi %add3A_134, %add3A_139 : i32
      %lt3A_141 = arith.cmpi slt, %add3A_140, %min3A_70 : i32
      %convert_element_type3A_142 = arith.extui %lt3A_141 : i1 to i32
      %cond3A_143 = arith.constant 0 : i32
      %cond3A_144 = arith.cmpi ne, %convert_element_type3A_142, %cond3A_143 : i32
      scf.if %cond3A_144 {
        %dma_wait3A = arith.constant 0 : i32
        %dma_wait3A_159 = tpu.memref_slice %arg7[%add3A_134, %dma_wait3A] : memref<40x128xi32, #tpu.memory_space<vmem>> -> memref<1x128xi32, #tpu.memory_space<vmem>>
        %dma_wait3A_160 = tpu.memref_squeeze %dma_wait3A_159 : memref<1x128xi32, #tpu.memory_space<vmem>> -> memref<128xi32, #tpu.memory_space<vmem>>
        %dma_wait3A_161 = arith.constant 0 : i32
        %dma_wait3A_162 = arith.constant 0 : i32
        %dma_wait3A_163 = tpu.memref_slice %arg14[%dma_wait3A_161, %dma_wait3A_162] : memref<10000x128xf32, #tpu.memory_space<vmem_shared>> -> memref<10000x128xf32, #tpu.memory_space<vmem_shared>>
        tpu.wait_indirect_dma semaphore(%arg12 : memref<!tpu.dma_semaphore, #tpu.memory_space<semaphore_mem>>) src(%arg8 : memref<128x128xf32, #tpu.memory_space<vmem>>) dst(%dma_wait3A_163 : memref<10000x128xf32, #tpu.memory_space<vmem_shared>>)
        %dma_start3A = arith.constant 0 : i32
        %dma_start3A_164 = tpu.memref_slice %arg6[%add3A_140, %dma_start3A] : memref<40x128xi32, #tpu.memory_space<vmem>> -> memref<1x128xi32, #tpu.memory_space<vmem>>
        %dma_start3A_165 = tpu.memref_squeeze %dma_start3A_164 : memref<1x128xi32, #tpu.memory_space<vmem>> -> memref<128xi32, #tpu.memory_space<vmem>>
        %dma_start3A_166 = arith.constant 0 : i32
        %dma_start3A_167 = arith.constant 0 : i32
        %dma_start3A_168 = tpu.memref_slice %arg2[%dma_start3A_166, %dma_start3A_167] : memref<20000x128xf32, #tpu.memory_space<hbm>> -> memref<20000x128xf32, #tpu.memory_space<hbm>>
        tpu.enqueue_indirect_dma source(%dma_start3A_168 : memref<20000x128xf32, #tpu.memory_space<hbm>>) target(%arg8 : memref<128x128xf32, #tpu.memory_space<vmem>>) offsets(%dma_start3A_165 : memref<128xi32, #tpu.memory_space<vmem>>) semaphore(%arg10 : memref<!tpu.dma_semaphore, #tpu.memory_space<semaphore_mem>>)
      } else {
      }
      %mul3A_145 = arith.constant 2 : i32
      %mul3A_146 = arith.muli %add3A_130, %mul3A_145 : i32
      %add3A_147 = arith.constant 1 : i32
      %add3A_148 = arith.addi %mul3A_146, %add3A_147 : i32
      %lt3A_149 = arith.cmpi slt, %add3A_148, %min3A_70 : i32
      %convert_element_type3A_150 = arith.extui %lt3A_149 : i1 to i32
      %cond3A_151 = arith.constant 0 : i32
      %cond3A_152 = arith.cmpi ne, %convert_element_type3A_150, %cond3A_151 : i32
      scf.if %cond3A_152 {
        %dma_wait3A = arith.constant 0 : i32
        %dma_wait3A_159 = tpu.memref_slice %arg6[%add3A_148, %dma_wait3A] : memref<40x128xi32, #tpu.memory_space<vmem>> -> memref<1x128xi32, #tpu.memory_space<vmem>>
        %dma_wait3A_160 = tpu.memref_squeeze %dma_wait3A_159 : memref<1x128xi32, #tpu.memory_space<vmem>> -> memref<128xi32, #tpu.memory_space<vmem>>
        %dma_wait3A_161 = arith.constant 0 : i32
        %dma_wait3A_162 = arith.constant 0 : i32
        %dma_wait3A_163 = tpu.memref_slice %arg2[%dma_wait3A_161, %dma_wait3A_162] : memref<20000x128xf32, #tpu.memory_space<hbm>> -> memref<20000x128xf32, #tpu.memory_space<hbm>>
        tpu.wait_indirect_dma semaphore(%arg11 : memref<!tpu.dma_semaphore, #tpu.memory_space<semaphore_mem>>) src(%dma_wait3A_163 : memref<20000x128xf32, #tpu.memory_space<hbm>>) dst(%arg9 : memref<128x128xf32, #tpu.memory_space<vmem>>)
        %dma_start3A = arith.constant 0 : i32
        %dma_start3A_164 = tpu.memref_slice %arg7[%add3A_148, %dma_start3A] : memref<40x128xi32, #tpu.memory_space<vmem>> -> memref<1x128xi32, #tpu.memory_space<vmem>>
        %dma_start3A_165 = tpu.memref_squeeze %dma_start3A_164 : memref<1x128xi32, #tpu.memory_space<vmem>> -> memref<128xi32, #tpu.memory_space<vmem>>
        %dma_start3A_166 = arith.constant 0 : i32
        %dma_start3A_167 = arith.constant 0 : i32
        %dma_start3A_168 = tpu.memref_slice %arg14[%dma_start3A_166, %dma_start3A_167] : memref<10000x128xf32, #tpu.memory_space<vmem_shared>> -> memref<10000x128xf32, #tpu.memory_space<vmem_shared>>
        tpu.enqueue_indirect_dma source(%arg9 : memref<128x128xf32, #tpu.memory_space<vmem>>) target(%dma_start3A_168 : memref<10000x128xf32, #tpu.memory_space<vmem_shared>>) offsets(%dma_start3A_165 : memref<128xi32, #tpu.memory_space<vmem>>) semaphore(%arg13 : memref<!tpu.dma_semaphore, #tpu.memory_space<semaphore_mem>>) {add = true}
      } else {
      }
      %add3A_153 = arith.constant 2 : i32
      %add3A_154 = arith.addi %add3A_148, %add3A_153 : i32
      %lt3A_155 = arith.cmpi slt, %add3A_154, %min3A_70 : i32
      %convert_element_type3A_156 = arith.extui %lt3A_155 : i1 to i32
      %cond3A_157 = arith.constant 0 : i32
      %cond3A_158 = arith.cmpi ne, %convert_element_type3A_156, %cond3A_157 : i32
      scf.if %cond3A_158 {
        %dma_wait3A = arith.constant 0 : i32
        %dma_wait3A_159 = tpu.memref_slice %arg7[%add3A_148, %dma_wait3A] : memref<40x128xi32, #tpu.memory_space<vmem>> -> memref<1x128xi32, #tpu.memory_space<vmem>>
        %dma_wait3A_160 = tpu.memref_squeeze %dma_wait3A_159 : memref<1x128xi32, #tpu.memory_space<vmem>> -> memref<128xi32, #tpu.memory_space<vmem>>
        %dma_wait3A_161 = arith.constant 0 : i32
        %dma_wait3A_162 = arith.constant 0 : i32
        %dma_wait3A_163 = tpu.memref_slice %arg14[%dma_wait3A_161, %dma_wait3A_162] : memref<10000x128xf32, #tpu.memory_space<vmem_shared>> -> memref<10000x128xf32, #tpu.memory_space<vmem_shared>>
        tpu.wait_indirect_dma semaphore(%arg13 : memref<!tpu.dma_semaphore, #tpu.memory_space<semaphore_mem>>) src(%arg9 : memref<128x128xf32, #tpu.memory_space<vmem>>) dst(%dma_wait3A_163 : memref<10000x128xf32, #tpu.memory_space<vmem_shared>>)
        %dma_start3A = arith.constant 0 : i32
        %dma_start3A_164 = tpu.memref_slice %arg6[%add3A_154, %dma_start3A] : memref<40x128xi32, #tpu.memory_space<vmem>> -> memref<1x128xi32, #tpu.memory_space<vmem>>
        %dma_start3A_165 = tpu.memref_squeeze %dma_start3A_164 : memref<1x128xi32, #tpu.memory_space<vmem>> -> memref<128xi32, #tpu.memory_space<vmem>>
        %dma_start3A_166 = arith.constant 0 : i32
        %dma_start3A_167 = arith.constant 0 : i32
        %dma_start3A_168 = tpu.memref_slice %arg2[%dma_start3A_166, %dma_start3A_167] : memref<20000x128xf32, #tpu.memory_space<hbm>> -> memref<20000x128xf32, #tpu.memory_space<hbm>>
        tpu.enqueue_indirect_dma source(%dma_start3A_168 : memref<20000x128xf32, #tpu.memory_space<hbm>>) target(%arg9 : memref<128x128xf32, #tpu.memory_space<vmem>>) offsets(%dma_start3A_165 : memref<128xi32, #tpu.memory_space<vmem>>) semaphore(%arg11 : memref<!tpu.dma_semaphore, #tpu.memory_space<semaphore_mem>>)
      } else {
      }
    }
    %scan3A_94 = arith.constant 20 : i32
    %sub3A_95 = arith.constant 2 : i32
    %sub3A_96 = arith.subi %min3A_70, %sub3A_95 : i32
    %max3A_97 = arith.constant 0 : i32
    %max3A_98 = arith.maxsi %sub3A_96, %max3A_97 : i32
    %add3A_99 = arith.constant 0 : i32
    %add3A_100 = arith.addi %max3A_98, %add3A_99 : i32
    %lt3A_101 = arith.cmpi slt, %add3A_100, %min3A_70 : i32
    %convert_element_type3A_102 = arith.extui %lt3A_101 : i1 to i32
    %cond3A_103 = arith.constant 0 : i32
    %cond3A_104 = arith.cmpi ne, %convert_element_type3A_102, %cond3A_103 : i32
    scf.if %cond3A_104 {
      %dma_wait3A = arith.constant 0 : i32
      %dma_wait3A_126 = arith.constant 0 : i32
      %dma_wait3A_127 = tpu.memref_slice %arg7[%dma_wait3A, %dma_wait3A_126] : memref<40x128xi32, #tpu.memory_space<vmem>> -> memref<1x128xi32, #tpu.memory_space<vmem>>
      %dma_wait3A_128 = tpu.memref_squeeze %dma_wait3A_127 : memref<1x128xi32, #tpu.memory_space<vmem>> -> memref<128xi32, #tpu.memory_space<vmem>>
      %dma_wait3A_129 = arith.constant 0 : i32
      %dma_wait3A_130 = arith.constant 0 : i32
      %dma_wait3A_131 = tpu.memref_slice %arg14[%dma_wait3A_129, %dma_wait3A_130] : memref<10000x128xf32, #tpu.memory_space<vmem_shared>> -> memref<10000x128xf32, #tpu.memory_space<vmem_shared>>
      tpu.wait_indirect_dma semaphore(%arg12 : memref<!tpu.dma_semaphore, #tpu.memory_space<semaphore_mem>>) src(%arg8 : memref<128x128xf32, #tpu.memory_space<vmem>>) dst(%dma_wait3A_131 : memref<10000x128xf32, #tpu.memory_space<vmem_shared>>)
    } else {
    }
    %sub3A_105 = arith.constant 2 : i32
    %sub3A_106 = arith.subi %min3A_70, %sub3A_105 : i32
    %max3A_107 = arith.constant 0 : i32
    %max3A_108 = arith.maxsi %sub3A_106, %max3A_107 : i32
    %add3A_109 = arith.constant 1 : i32
    %add3A_110 = arith.addi %max3A_108, %add3A_109 : i32
    %lt3A_111 = arith.cmpi slt, %add3A_110, %min3A_70 : i32
    %convert_element_type3A_112 = arith.extui %lt3A_111 : i1 to i32
    %cond3A_113 = arith.constant 0 : i32
    %cond3A_114 = arith.cmpi ne, %convert_element_type3A_112, %cond3A_113 : i32
    scf.if %cond3A_114 {
      %dma_wait3A = arith.constant 0 : i32
      %dma_wait3A_126 = arith.constant 0 : i32
      %dma_wait3A_127 = tpu.memref_slice %arg7[%dma_wait3A, %dma_wait3A_126] : memref<40x128xi32, #tpu.memory_space<vmem>> -> memref<1x128xi32, #tpu.memory_space<vmem>>
      %dma_wait3A_128 = tpu.memref_squeeze %dma_wait3A_127 : memref<1x128xi32, #tpu.memory_space<vmem>> -> memref<128xi32, #tpu.memory_space<vmem>>
      %dma_wait3A_129 = arith.constant 0 : i32
      %dma_wait3A_130 = arith.constant 0 : i32
      %dma_wait3A_131 = tpu.memref_slice %arg14[%dma_wait3A_129, %dma_wait3A_130] : memref<10000x128xf32, #tpu.memory_space<vmem_shared>> -> memref<10000x128xf32, #tpu.memory_space<vmem_shared>>
      tpu.wait_indirect_dma semaphore(%arg13 : memref<!tpu.dma_semaphore, #tpu.memory_space<semaphore_mem>>) src(%arg9 : memref<128x128xf32, #tpu.memory_space<vmem>>) dst(%dma_wait3A_131 : memref<10000x128xf32, #tpu.memory_space<vmem_shared>>)
    } else {
    }
    %barrier3A_115 = arith.constant 0 : index
    tpu.barrier barrier_id(%barrier3A_115)
    %lt3A_116 = arith.constant 15 : i32
    %lt3A_117 = arith.cmpi slt, %arg1, %lt3A_116 : i32
    %convert_element_type3A_118 = arith.extui %lt3A_117 : i1 to i32
    %cond3A_119 = arith.constant 0 : i32
    %cond3A_120 = arith.cmpi ne, %convert_element_type3A_118, %cond3A_119 : i32
    scf.if %cond3A_120 {
      %mul3A_126 = arith.constant 128 : i32
      %mul3A_127 = arith.muli %arg0, %mul3A_126 : i32
      "tpu.region"() ({
        %run_scoped3A = tpu.sem_alloc : memref<!tpu.dma_semaphore, #tpu.memory_space<semaphore_mem>>
        %dma_start3A = tpu.memref_slice %arg5[%mul3A_11, %mul3A_127] : memref<10000x256xf32, #tpu.memory_space<hbm>> -> memref<632x128xf32, #tpu.memory_space<hbm>>
        %dma_start3A_128 = arith.constant 0 : i32
        %dma_start3A_129 = tpu.memref_slice %arg14[%mul3A_11, %dma_start3A_128] : memref<10000x128xf32, #tpu.memory_space<vmem_shared>> -> memref<632x128xf32, #tpu.memory_space<vmem_shared>>
        tpu.enqueue_dma source(%dma_start3A_129 : memref<632x128xf32, #tpu.memory_space<vmem_shared>>) target(%dma_start3A : memref<632x128xf32, #tpu.memory_space<hbm>>) target_semaphore(%run_scoped3A : memref<!tpu.dma_semaphore, #tpu.memory_space<semaphore_mem>>)
        %dma_wait3A = tpu.memref_slice %arg5[%mul3A_11, %mul3A_127] : memref<10000x256xf32, #tpu.memory_space<hbm>> -> memref<632x128xf32, #tpu.memory_space<hbm>>
        %dma_wait3A_130 = arith.constant 0 : i32
        %dma_wait3A_131 = tpu.memref_slice %arg14[%mul3A_11, %dma_wait3A_130] : memref<10000x128xf32, #tpu.memory_space<vmem_shared>> -> memref<632x128xf32, #tpu.memory_space<vmem_shared>>
        tpu.wait_dma2 semaphore(%run_scoped3A : memref<!tpu.dma_semaphore, #tpu.memory_space<semaphore_mem>>) src(%dma_wait3A_131 : memref<632x128xf32, #tpu.memory_space<vmem_shared>>) dst(%dma_wait3A : memref<632x128xf32, #tpu.memory_space<hbm>>)
        tpu.yield
      }) : () -> ()
    } else {
    }
    %eq3A_121 = arith.constant 15 : i32
    %eq3A_122 = arith.cmpi eq, %arg1, %eq3A_121 : i32
    %convert_element_type3A_123 = arith.extui %eq3A_122 : i1 to i32
    %cond3A_124 = arith.constant 0 : i32
    %cond3A_125 = arith.cmpi ne, %convert_element_type3A_123, %cond3A_124 : i32
    scf.if %cond3A_125 {
      %mul3A_126 = arith.constant 128 : i32
      %mul3A_127 = arith.muli %arg0, %mul3A_126 : i32
      "tpu.region"() ({
        %run_scoped3A = tpu.sem_alloc : memref<!tpu.dma_semaphore, #tpu.memory_space<semaphore_mem>>
        %dma_start3A = tpu.memref_slice %arg5[%mul3A_11, %mul3A_127] : memref<10000x256xf32, #tpu.memory_space<hbm>> -> memref<520x128xf32, #tpu.memory_space<hbm>>
        %dma_start3A_128 = arith.constant 0 : i32
        %dma_start3A_129 = tpu.memref_slice %arg14[%mul3A_11, %dma_start3A_128] : memref<10000x128xf32, #tpu.memory_space<vmem_shared>> -> memref<520x128xf32, #tpu.memory_space<vmem_shared>>
        tpu.enqueue_dma source(%dma_start3A_129 : memref<520x128xf32, #tpu.memory_space<vmem_shared>>) target(%dma_start3A : memref<520x128xf32, #tpu.memory_space<hbm>>) target_semaphore(%run_scoped3A : memref<!tpu.dma_semaphore, #tpu.memory_space<semaphore_mem>>)
        %dma_wait3A = tpu.memref_slice %arg5[%mul3A_11, %mul3A_127] : memref<10000x256xf32, #tpu.memory_space<hbm>> -> memref<520x128xf32, #tpu.memory_space<hbm>>
        %dma_wait3A_130 = arith.constant 0 : i32
        %dma_wait3A_131 = tpu.memref_slice %arg14[%mul3A_11, %dma_wait3A_130] : memref<10000x128xf32, #tpu.memory_space<vmem_shared>> -> memref<520x128xf32, #tpu.memory_space<vmem_shared>>
        tpu.wait_dma2 semaphore(%run_scoped3A : memref<!tpu.dma_semaphore, #tpu.memory_space<semaphore_mem>>) src(%dma_wait3A_131 : memref<520x128xf32, #tpu.memory_space<vmem_shared>>) dst(%dma_wait3A : memref<520x128xf32, #tpu.memory_space<hbm>>)
        tpu.yield
      }) : () -> ()
    } else {
    }
    return
  }
}

module attributes {stable_mosaic.version = 14 : i64} {
  func.func @body(%arg0: i32, %arg1: memref<1000x256xf32, #tpu.memory_space<vmem>>, %arg2: memref<1000x1xf32, #tpu.memory_space<vmem>>, %arg3: memref<1000x256xf32, #tpu.memory_space<vmem>>) attributes {dimension_semantics = [#tpu.dimension_semantics<arbitrary>], iteration_bounds = array<i64: 10>, scalar_prefetch = 0 : i64, scratch_operands = 0 : i64, tpu.core_type = #tpu.core_type<tc>, window_params = [{transform_indices = @transform_0, window_bounds = array<i64: 1000, 256>}, {transform_indices = @transform_1, window_bounds = array<i64: 1000, 1>}, {transform_indices = @transform_2, window_bounds = array<i64: 1000, 256>}]} {
    %get3A = arith.constant 0 : index
    %get3A_0 = arith.constant 0 : index
    %get3A_1 = vector.load %arg2[%get3A, %get3A_0] : memref<1000x1xf32, #tpu.memory_space<vmem>>, vector<1000x1xf32>
    %max3A = arith.constant 1.000000e+00 : f32
    %max3A_2 = vector.broadcast %max3A : f32 to vector<1000x1xf32>
    %max3A_3 = arith.maximumf %get3A_1, %max3A_2 : vector<1000x1xf32>
    %rsqrt3A = math.rsqrt %max3A_3 : vector<1000x1xf32>
    %get3A_4 = arith.constant 0 : index
    %get3A_5 = arith.constant 0 : index
    %get3A_6 = vector.load %arg1[%get3A_4, %get3A_5] : memref<1000x256xf32, #tpu.memory_space<vmem>>, vector<1000x256xf32>
    %mul3A = vector.broadcast %rsqrt3A : vector<1000x1xf32> to vector<1000x256xf32>
    %mul3A_7 = arith.mulf %get3A_6, %mul3A : vector<1000x256xf32>
    %swap3A = arith.constant 0 : index
    %swap3A_8 = arith.constant 0 : index
    %swap3A_9 = vector.load %arg3[%swap3A, %swap3A_8] : memref<1000x256xf32, #tpu.memory_space<vmem>>, vector<1000x256xf32>
    tpu.vector_store %arg3[%swap3A, %swap3A_8], %mul3A_7 {strides = array<i32>} : memref<1000x256xf32, #tpu.memory_space<vmem>>, vector<1000x256xf32>,
    return
  }
  func.func @transform_0(%arg0: i32) -> (i32, i32) {
    %c0_i32 = arith.constant 0 : i32
    %c0_i32_0 = arith.constant 0 : i32
    return %arg0, %c0_i32 : i32, i32
  }
  func.func @transform_1(%arg0: i32) -> (i32, i32) {
    %c0_i32 = arith.constant 0 : i32
    %c0_i32_0 = arith.constant 0 : i32
    return %arg0, %c0_i32 : i32, i32
  }
  func.func @transform_2(%arg0: i32) -> (i32, i32) {
    %c0_i32 = arith.constant 0 : i32
    %c0_i32_0 = arith.constant 0 : i32
    return %arg0, %c0_i32 : i32, i32
  }
}

module attributes {stable_mosaic.version = 14 : i64} {
  func.func @body(%arg0: i32, %arg1: memref<1000x256xf32, #tpu.memory_space<vmem>>, %arg2: memref<1000x256xf32, #tpu.memory_space<vmem>>, %arg3: memref<1000x1xf32, #tpu.memory_space<vmem>>, %arg4: memref<256x256xf32, #tpu.memory_space<vmem>>, %arg5: memref<256x256xf32, #tpu.memory_space<vmem>>, %arg6: memref<1000x256xf32, #tpu.memory_space<vmem>>) attributes {dimension_semantics = [#tpu.dimension_semantics<arbitrary>], iteration_bounds = array<i64: 10>, scalar_prefetch = 0 : i64, scratch_operands = 0 : i64, tpu.core_type = #tpu.core_type<tc>, window_params = [{transform_indices = @transform_0, window_bounds = array<i64: 1000, 256>}, {transform_indices = @transform_1, window_bounds = array<i64: 1000, 256>}, {transform_indices = @transform_2, window_bounds = array<i64: 1000, 1>}, {pipeline_mode = #tpu.pipeline_mode<synchronous>, transform_indices = @transform_3, window_bounds = array<i64: 256, 256>}, {pipeline_mode = #tpu.pipeline_mode<synchronous>, transform_indices = @transform_4, window_bounds = array<i64: 256, 256>}, {transform_indices = @transform_5, window_bounds = array<i64: 1000, 256>}]} {
    %get3A = arith.constant 0 : index
    %get3A_0 = arith.constant 0 : index
    %get3A_1 = vector.load %arg3[%get3A, %get3A_0] : memref<1000x1xf32, #tpu.memory_space<vmem>>, vector<1000x1xf32>
    %max3A = arith.constant 1.000000e+00 : f32
    %max3A_2 = vector.broadcast %max3A : f32 to vector<1000x1xf32>
    %max3A_3 = arith.maximumf %get3A_1, %max3A_2 : vector<1000x1xf32>
    %rsqrt3A = math.rsqrt %max3A_3 : vector<1000x1xf32>
    %get3A_4 = arith.constant 0 : index
    %get3A_5 = arith.constant 0 : index
    %get3A_6 = vector.load %arg2[%get3A_4, %get3A_5] : memref<1000x256xf32, #tpu.memory_space<vmem>>, vector<1000x256xf32>
    %mul3A = vector.broadcast %rsqrt3A : vector<1000x1xf32> to vector<1000x256xf32>
    %mul3A_7 = arith.mulf %get3A_6, %mul3A : vector<1000x256xf32>
    %get3A_8 = arith.constant 0 : index
    %get3A_9 = arith.constant 0 : index
    %get3A_10 = vector.load %arg1[%get3A_8, %get3A_9] : memref<1000x256xf32, #tpu.memory_space<vmem>>, vector<1000x256xf32>
    %add3A = arith.addf %mul3A_7, %get3A_10 : vector<1000x256xf32>
    %get3A_11 = arith.constant 0 : index
    %get3A_12 = arith.constant 0 : index
    %get3A_13 = vector.load %arg4[%get3A_11, %get3A_12] : memref<256x256xf32, #tpu.memory_space<vmem>>, vector<256x256xf32>
    %dot_general3A = arith.constant dense<0.000000e+00> : vector<1000x256xf32>
    %dot_general3A_14 = tpu.matmul %add3A, %get3A_13, %dot_general3A {dimension_numbers = #tpu.dot_dimension_numbers<[1], [0], [0], [1], [0, 0, 1, 1], [], []>, transpose_lhs_hint = false} : vector<1000x256xf32>, vector<256x256xf32>, vector<1000x256xf32> -> vector<1000x256xf32>
    %mul3A_15 = arith.mulf %get3A_10, %mul3A_7 : vector<1000x256xf32>
    %get3A_16 = arith.constant 0 : index
    %get3A_17 = arith.constant 0 : index
    %get3A_18 = vector.load %arg5[%get3A_16, %get3A_17] : memref<256x256xf32, #tpu.memory_space<vmem>>, vector<256x256xf32>
    %dot_general3A_19 = arith.constant dense<0.000000e+00> : vector<1000x256xf32>
    %dot_general3A_20 = tpu.matmul %mul3A_15, %get3A_18, %dot_general3A_19 {dimension_numbers = #tpu.dot_dimension_numbers<[1], [0], [0], [1], [0, 0, 1, 1], [], []>, transpose_lhs_hint = false} : vector<1000x256xf32>, vector<256x256xf32>, vector<1000x256xf32> -> vector<1000x256xf32>
    %add3A_21 = arith.addf %dot_general3A_14, %dot_general3A_20 : vector<1000x256xf32>
    %swap3A = arith.constant 0 : index
    %swap3A_22 = arith.constant 0 : index
    %swap3A_23 = vector.load %arg6[%swap3A, %swap3A_22] : memref<1000x256xf32, #tpu.memory_space<vmem>>, vector<1000x256xf32>
    tpu.vector_store %arg6[%swap3A, %swap3A_22], %add3A_21 {strides = array<i32>} : memref<1000x256xf32, #tpu.memory_space<vmem>>, vector<1000x256xf32>,
    return
  }
  func.func @transform_0(%arg0: i32) -> (i32, i32) {
    %c0_i32 = arith.constant 0 : i32
    %c0_i32_0 = arith.constant 0 : i32
    return %arg0, %c0_i32 : i32, i32
  }
  func.func @transform_1(%arg0: i32) -> (i32, i32) {
    %c0_i32 = arith.constant 0 : i32
    %c0_i32_0 = arith.constant 0 : i32
    return %arg0, %c0_i32 : i32, i32
  }
  func.func @transform_2(%arg0: i32) -> (i32, i32) {
    %c0_i32 = arith.constant 0 : i32
    %c0_i32_0 = arith.constant 0 : i32
    return %arg0, %c0_i32 : i32, i32
  }
  func.func @transform_3(%arg0: i32) -> (i32, i32) {
    %c0_i32 = arith.constant 0 : i32
    %c0_i32_0 = arith.constant 0 : i32
    %c0_i32_1 = arith.constant 0 : i32
    return %c0_i32, %c0_i32_0 : i32, i32
  }
  func.func @transform_4(%arg0: i32) -> (i32, i32) {
    %c0_i32 = arith.constant 0 : i32
    %c0_i32_0 = arith.constant 0 : i32
    %c0_i32_1 = arith.constant 0 : i32
    return %c0_i32, %c0_i32_0 : i32, i32
  }
  func.func @transform_5(%arg0: i32) -> (i32, i32) {
    %c0_i32 = arith.constant 0 : i32
    %c0_i32_0 = arith.constant 0 : i32
    return %arg0, %c0_i32 : i32, i32
  }
}

</mosaic_0001>

<sc_bundles>
// kernel: kernel.6.cloned.1.call-start
scs
__scs_entry_jumppad:
0x0: {  	(pc) =	sbr.rel $0x88, $3  }
0x1: {  	(tag) =	ssettag $0x0;
	lr =	simm.s32 $0x1  }
0x2: {  	[smem:$0x3F9D] =	sst lr;
	_ =	strace $0xD0000000  }
0x3: {  	_ = 	snop  }
0x4: {  	_ = 	snop  }
0x5: {  	_ = 	snop  }
0x6: {  	_ = 	snop  }
0x7: {  	_ = 	snop  }
__scs_overlays_trampoline_lowered:
0x8: {  	[smem:$0x3FAC] =	sst s0  }
0x9: {  	[smem:$0x3FAD] =	sst s1  }
0xa: {  	[smem:$0x3FAE] =	sst s2  }
0xb: {  	[smem:$0x3FAF] =	sst s3  }
0xc: {  	[smem:$0x3FB0] =	sst s4  }
0xd: {  	[smem:$0x3FB1] =	sst s5  }
0xe: {  	[smem:$0x3FB2] =	sst s6  }
0xf: {  	[smem:$0x3FB3] =	sst s7  }
0x10: {  	[smem:$0x3FB4] =	sst s8  }
0x11: {  	[smem:$0x3FB5] =	sst s9;
	s0 =	simm.s32 @!p0 $0x0  }
0x12: {  	s1 =	sld [smem:$0x3F9B];
	s0 =	simm.s32 @p0 $0x1  }
0x13: {  	[smem:$0x3FB6] =	sst s0;
	s0 =	simm.s32 @!p1 $0x0  }
0x14: {  	s2 =	sld [smem:$0x3F9A];
	s0 =	simm.s32 @p1 $0x1  }
0x15: {  	[smem:$0x3FB7] =	sst s0;
	s0 =	simm.s32 @!p2 $0x0  }
0x16: {  	s3 =	sld [smem:$0x3FDB];
	s0 =	simm.s32 @p2 $0x1  }
0x17: {  	s4 =	simm.s32 $0x1BF5;
	[smem:$0x3FB9] =	sst s0  }
0x18: {  	s0 =	sld [smem:$0x3F9C];
	_ =	swait.ge [sflag:s4], $0x0  }
0x19: {  	s7 =	sld [smem:$0x3F9D]  }
0x1a: {  	s8 =	sadd.s32 $0xFFFFE003, lr  }
0x1b: {  	s9 =	sadd.s32 $0xFFFFFEF7, lr;
	s5 =	simm.s32 $0xFFFFFFFF;
	p2 =	slt.u32 s8, $0xFFFFF086  }
0x1c: {  	p1 =	slt.u32 s9, $0xF7A;
	s5 =	simm.s32 @!p2 $0x0  }
0x1d: {  	s5 =	simm.s32 @p1 $0x1;
	p0 =	seq.s32 s7, s2  }
0x1e: {  	s7 =	smul.u32 @!p0 $0xF7A, s2;
	p2 =	seq.s32 @!p0 s5, $0x0  }
0x1f: {  	s9 =	smul.u32 $0xF7A, s1;
	s8 =	simm.s32 @!p0 $0x1BF5;
	p2 =	por !p2, p0  }
0x20: {  	[sflag:s8] =	ssyncset.s32 @!p0 $0xFFFFF086;
	s6 =	sadd.s32 @!p0 s3, s7;
	s7 =	simm.s32 @!p0 $0x108  }
0x21: {  	s3 =	sadd.s32 s3, s9;
	s6 =	sadd.s32 @!p0 $0x88, s6;
	s7 =	simm.s32 @p2 $0x1082  }
0x22: {  	[simem:s7], [sflag:s8] =	dma.local @!p0 [hbm:s6], $0xF7A  }
0x23: {  	s9 =	sor.u32 $0xD0000000, s2;
	s6 =	simm.s32 $0x108;
	_ =	swait.ge @!p0 [sflag:s8], $0x0  }
0x24: {  	s3 =	sadd.s32 $0x88, s3;
	s6 =	simm.s32 @!p1 $0x1082;
	[sflag:s4] =	ssyncset.s32 $0xFFFFF086  }
0x25: {  	[simem:s6], [sflag:s4] =	dma.local [hbm:s3], $0xF7A  }
0x26: {  	[smem:$0x3F9D] =	sst s1;
	(tag) =	ssettag s2;
	_ =	strace s9  }
0x27: {  	s1 =	sld [smem:$0x3FAD]  }
0x28: {  	s2 =	sld [smem:$0x3FAE]  }
0x29: {  	s4 =	sld [smem:$0x3FB0]  }
0x2a: {  	p0 =	seq.s32 s5, $0x0;
	s5 =	sld [smem:$0x3FB1]  }
0x2b: {  	s6 =	sld [smem:$0x3FB2]  }
0x2c: {  	s7 =	sld [smem:$0x3FB3]  }
0x2d: {  	s3 =	simm.s32 $0x108;
	s8 =	sld [smem:$0x3FB4]  }
0x2e: {  	s3 =	simm.s32 @!p0 $0x1082;
	s9 =	sld [smem:$0x3FB5]  }
0x2f: {  	lr =	sadd.s32 s0, s3;
	s0 =	sld [smem:$0x3FAC]  }
0x30: {  	s3 =	sld [smem:$0x3FAF]  }
0x31: {  	[smem:$0x3FB8] =	sst s10  }
0x32: {  	s10 =	sld [smem:$0x3FB6];
	_ =	sdelay $0x3  }
0x33: {  	p0 =	seq.s32 s10, $0x1;
	s10 =	sld [smem:$0x3FB8];
	_ =	sdelay $0x3  }
0x34: {  	[smem:$0x3FB8] =	sst s10  }
0x35: {  	s10 =	sld [smem:$0x3FB7];
	_ =	sdelay $0x3  }
0x36: {  	p1 =	seq.s32 s10, $0x1;
	s10 =	sld [smem:$0x3FB8];
	_ =	sdelay $0x3  }
0x37: {  	[smem:$0x3FB8] =	sst s10  }
0x38: {  	s10 =	sld [smem:$0x3FB9]  }
0x39: {  	_ = 	snop;
	(pc) =	sbr.ind lr, $3  }
0x3a: {  	_ = 	snop  }
0x3b: {  	_ = 	snop  }
0x3c: {  	p2 =	seq.s32 s10, $0x1;
	s10 =	sld [smem:$0x3FB8]  }
0x3d: {  	_ =	shalt  }
0x3e: {  	_ =	shalt  }
0x3f: {  	_ =	shalt  }
0x40: {  	_ =	shalt  }
0x41: {  	_ =	shalt  }
0x42: {  	_ =	shalt  }
0x43: {  	_ =	shalt  }
0x44: {  	_ =	shalt  }
0x45: {  	_ =	shalt  }
0x46: {  	_ =	shalt  }
0x47: {  	_ =	shalt  }
0x48: {  	_ =	shalt  }
0x49: {  	_ =	shalt  }
0x4a: {  	_ =	shalt  }
0x4b: {  	_ =	shalt  }
0x4c: {  	_ =	shalt  }
0x4d: {  	_ =	shalt  }
0x4e: {  	_ =	shalt  }
0x4f: {  	_ =	shalt  }
0x50: {  	_ =	shalt  }
0x51: {  	_ =	shalt  }
0x52: {  	_ =	shalt  }
0x53: {  	_ =	shalt  }
0x54: {  	_ =	shalt  }
0x55: {  	_ =	shalt  }
0x56: {  	_ =	shalt  }
0x57: {  	_ =	shalt  }
0x58: {  	_ =	shalt  }
0x59: {  	_ =	shalt  }
0x5a: {  	_ =	shalt  }
0x5b: {  	_ =	shalt  }
0x5c: {  	_ =	shalt  }
0x5d: {  	_ =	shalt  }
0x5e: {  	_ =	shalt  }
0x5f: {  	_ =	shalt  }
0x60: {  	_ =	shalt  }
0x61: {  	_ =	shalt  }
0x62: {  	_ =	shalt  }
0x63: {  	_ =	shalt  }
0x64: {  	_ =	shalt  }
0x65: {  	_ =	shalt  }
0x66: {  	_ =	shalt  }
0x67: {  	_ =	shalt  }
0x68: {  	_ =	shalt  }
0x69: {  	_ =	shalt  }
0x6a: {  	_ =	shalt  }
0x6b: {  	_ =	shalt  }
0x6c: {  	_ =	shalt  }
0x6d: {  	_ =	shalt  }
0x6e: {  	_ =	shalt  }
0x6f: {  	_ =	shalt  }
0x70: {  	_ =	shalt  }
0x71: {  	_ =	shalt  }
0x72: {  	_ =	shalt  }
0x73: {  	_ =	shalt  }
0x74: {  	_ =	shalt  }
0x75: {  	_ =	shalt  }
0x76: {  	_ =	shalt  }
0x77: {  	_ =	shalt  }
0x78: {  	_ =	shalt  }
0x79: {  	_ =	shalt  }
0x7a: {  	_ =	shalt  }
0x7b: {  	_ =	shalt  }
0x7c: {  	_ =	shalt  }
0x7d: {  	_ =	shalt  }
0x7e: {  	_ =	shalt  }
0x7f: {  	_ =	shalt  }
0x80: {  	_ =	shalt  }
0x81: {  	_ =	shalt  }
0x82: {  	_ =	shalt  }
0x83: {  	_ =	shalt  }
0x84: {  	_ =	shalt  }
0x85: {  	_ =	shalt  }
0x86: {  	_ =	shalt  }
0x87: {  	_ =	shalt  }
.Lfunc_end0:
.L_simem_size_0:
called_computation_lowered:
.L_overlay_start_0:
0x88: {  	s2 =	sld [smem:$0x3FD9]  }
0x89: {  	s3 =	sld [smem:$0x3FFE];
	_ =	sdelay $0x1  }
0x8a: {  	s1 =	srdreg.scid  }
0x8b: {  	s0 =	sand.u32 $0x1, s1  }
0x8c: {  	s17 =	sshll.u32 s0, $0xA;
	s2 =	sadd.s32 s3, s2  }
0x8d: {  	s2 =	sadd.s32 s2, s17  }
0x8e: {  	[smem:$0x3FC4] =	sst s2  }
0x8f: {  	_ = 	snop  }
0x90: {  	s2 =	sld [smem:$0x3FD0];
	(tm) =	ssettm $0x1  }
0x91: {  	s18 =	sld [smem:$0x3FFB];
	_ =	sdelay $0x3  }
0x92: {  	_ =	strace s18  }
0x93: {  	s3 =	sld [smem:$0x3FFC];
	_ =	sdelay $0x3  }
0x94: {  	_ =	strace s3  }
0x95: {  	s3 =	sld [smem:$0x3FFD];
	_ =	sdelay $0x3  }
0x96: {  	_ =	strace s3  }
0x97: {  	_ =	strace $0x8FFFFFFF  }
0x98: {  	s19 =	sld [smem:$0x3FDB];
	_ =	sdelay $0x1  }
0x99: {  	s4 =	simm.s32 $_scs_section_size  }
0x9a: {  	s5 =	simm.s32 $_size__tile_overlayer_lowered;
	s6 =	simm.s32 $_tile_overlayer_lowered  }
0x9b: {  	s22 =	simm.s32 $0x1BFF;
	s21 =	sshll.u32 s6, $0x1;
	s3 =	sadd.s32 s4, s19  }
0x9c: {  	s7 =	simm.s32 $0x0;
	s20 =	sshll.u32 s5, $0x1;
	s5 =	sadd.s32 s21, s3  }
0x9d: {  	[timem:s7], [sflag:s22] =	dma.local [hbm:s5], s20  }
0x9e: {  	_ =	swait.ge [sflag:s22], s20  }
0x9f: {  	s4 =	ssub.s32 $0x0, s20;
	[sflag:s22] =	ssyncset.done $0x0  }
0xa0: {  	[sflag:s22] =	ssyncadd.s32 s4;
	_ =	sdelay $0x1  }
0xa1: {  	s23 =	simm.s32 $0x1B8B  }
0xa2: {  	_ =	swait.ge [sflag:s23], $0x1  }
0xa3: {  	[sflag:s23] =	ssyncset.done $0x0  }
0xa4: {  	s25 =	simm.s32 $0x1B8E;
	s24 =	sld [smem:$0x3FFE];
	[sflag:s23] =	ssyncadd.s32 $0xFFFFFFFF  }
0xa5: {  	s26 =	simm.s32 $execute0_lowered;
	[smem:$0x3FD2] =	sst s25  }
0xa6: {  	s5 =	sshll.u32 s26, $0x1;
	_ =	strace $0x80000046;
	[dreg:$0x1] =	wrdreg $0xFFFFFFFF  }
0xa7: {  	s28 =	simm.s32 $_size_execute0_lowered;
	s3 =	sadd.s32 s3, s5;
	[dreg:$0x0] =	wrdreg $0x0  }
0xa8: {  	s5 =	sshll.u32 s28, $0x1;
	[dreg:$0x2] =	wrdreg s3  }
0xa9: {  	[dreg:$0x3] =	wrdreg s5  }
0xaa: {  	[dreg:$0x4] =	wrdreg $0xC0  }
0xab: {  	_ =	task [dreg:s7], $0x5FFFF  }
0xac: {  	[dreg:$0x1] =	wrdreg $0xFFFFFFFF  }
0xad: {  	[dreg:$0x0] =	wrdreg $0x60  }
0xae: {  	[dreg:$0x2] =	wrdreg s24  }
0xaf: {  	[dreg:$0x3] =	wrdreg s2  }
0xb0: {  	[dreg:$0x4] =	wrdreg $0xA8000  }
0xb1: {  	[dreg:$0x5] =	wrdreg $0x9  }
0xb2: {  	_ =	task.clear_ibuf [dreg:s7], $0x6FFFF;
	_ =	strace $0x90000046  }
0xb3: {  	s29 =	simm.s32 $0x9;
	_ =	strace $0x80000048  }
0xb4: {  	_ =	swait.ge [sflag:s29], $0x1  }
0xb5: {  	[sflag:s29] =	ssyncadd.s32 $0xFFFFFFFF  }
0xb6: {  	_ =	strace $0x90000048  }
0xb7: {  	_ =	sfence  }
0xb8: {  	s30 =	sld [smem:$0x0];
	_ =	sdelay $0x2  }
0xb9: {  	s31 =	sshll.u32 s1, $0xD;
	s1 =	sshrl.u32 s1, $0x2  }
0xba: {  	s3 =	sand.u32 $0x4000, s31;
	s1 =	sadd.s32 s1, s30  }
0xbb: {  	s0 =	sor.u32 s3, s0;
	s1 =	sshll.u32 s1, $0x11  }
0xbc: {  	s0 =	sor.u32 s1, s0  }
0xbd: {  	s0 =	sadd.s32 $0x8F2B, s0  }
0xbe: {  	[sflag:s0] =	ssyncadd.remote.s32 $0x1  }
0xbf: {  	_ =	sfence.sel $0xFFFF  }
0xc0: {  	[dreg:$0x0] =	wrdreg $0xFFFFFFFF;
	(pc) =	sbr.abs _section_cstart, $3  }
0xc1: {  	[dreg:$0x1] =	wrdreg $0xFFFFFFFF  }
0xc2: {  	_ =	task.clear_ibuf [dreg:s7], $0x2FFFF;
	_ =	strace $0x9FFFFFFF  }
0xc3: {  	(tm) =	ssettm $0x7FFFFFFF  }
tec
execute0_lowered:
.L_overlay_start_1:
0x0: {  	(tag) =	ssettag $0x1  }
0x1: {  	s4 =	rddreg [dreg:$0x0]  }
0x2: {  	s9 =	rddreg [dreg:$0x1]  }
0x3: {  	s0 =	srdreg.scid;
	s2 =	rddreg [dreg:$0x2]  }
0x4: {  	s1 =	stileid.u32;
	s3 =	simm.s32 $0x0;
	s19 =	simm.s32 $0x2  }
0x5: {  	s20 =	simm.s32 $0x1;
	s5 =	sand.u32 $0x1, s0;
	s0 =	rddreg [dreg:$0x3]  }
0x6: {  	s22 =	simm.s32 $0x0;
	[smem:$0x7FF] =	sst s3;
	s10 =	smul.u32 $0x4F000, s1  }
0x7: {  	p0 =	seq.s32 s1, $0xF;
	s29 =	smul.u32 $0x13C00, s1;
	s16 =	sadd.s32 $0x12C400, s2  }
0x8: {  	s17 =	sadd.s32 $0x130400, s2;
	s18 =	sadd.s32 $0x134400, s2;
	s6 =	sshll.u32 s5, $0x4  }
0x9: {  	s7 =	ssub.s32 $0x2, s5;
	s28 =	smul.u32 $0x138800, s5;
	s6 =	sor.u32 s1, s6  }
0xa: {  	_ =	strace $0x80000047;
	s8 =	sshrl.u32 s7, $0x1;
	s6 =	smul.u32 $0x500, s6  }
0xb: {  	s12 =	ssub.s32 s7, s8;
	s8 =	sadd.s32 s29, s28;
	s31 =	sshrl.u32 s28, $0x3  }
0xc: {  	s30 =	sshrl.u32 s10, $0x2;
	s11 =	sshrl.u32 s8, $0x3;
	s10 =	sadd.s32 s9, s31  }
0xd: {  	s8 =	sadd.s32 $0x138400, s2;
	s12 =	smax.u32 s12, $0x1;
	s6 =	sadd.s32 s6, s4  }
0xe: {  	s4 =	simm.s32 $0x32;
	s9 =	sadd.s32 s9, s11;
	s10 =	sadd.s32 $0x25080, s10  }
0xf: {  	s11 =	sadd.s32 $0x128400, s2;
	s5 =	sadd.s32 $0x1200, s6;
	s6 =	sadd.s32 s30, s2  }
0x10: {  	s4 =	simm.s32 @!p0 $0x50;
	s21 =	sshrl.u32 @p0 s11, $0x3;
	s7 =	sadd.s32 $0x10000, s6  }
0x11: {  	v0 =	vimm.f32 $1.000000000e+00;
	v1 =	vimm.f32 $0.0e+00;
	s13 =	sadd.s32 $0x4000, s6;
	s14 =	sadd.s32 $0x8000, s6;
	s15 =	sadd.s32 $0xC000, s6  }
.LBB2_1:
0x12: {  	[tilespmem:s3], [sflag:$0x2] =	stream.linear.gather [hbm4b:s5+s3], $0x2800, $0x38;
	[tilespmem:$0x1E080] =	vst v63  }
0x13: {  	_ =	swait.ge [sflag:s19], $0x2800  }
0x14: {  	[sflag:s19] =	ssyncset.done $0x0  }
0x15: {  	s23 =	simm.s32 $0x0;
	s24 =	simm.s32 $0x200;
	[sflag:s19] =	ssyncadd.s32 $0xFFFFD800  }
.LBB2_2:
0x16: {  	p1 =	sne.s32 s24, $0xFE00;
	[tilespmem:s23+$0x6870] =	vst v1  }
0x17: {  	[tilespmem:s23+$0x2800] =	vst v0  }
0x18: {  	[tilespmem:s23+$0x2810] =	vst v0  }
0x19: {  	[tilespmem:s23+$0x2820] =	vst v0  }
0x1a: {  	[tilespmem:s23+$0x2830] =	vst v0  }
0x1b: {  	[tilespmem:s23+$0x2840] =	vst v0  }
0x1c: {  	[tilespmem:s23+$0x2850] =	vst v0  }
0x1d: {  	[tilespmem:s23+$0x2860] =	vst v0  }
0x1e: {  	[tilespmem:s23+$0x2870] =	vst v0  }
0x1f: {  	[tilespmem:s23+$0x6800] =	vst v1  }
0x20: {  	[tilespmem:s23+$0x6810] =	vst v1  }
.Ltmp0:
0x21: {  	[tilespmem:s23+$0x6820] =	vst v1;
	(pc) =	sbr.rel @p1 .LBB2_2-.Ltmp0, $4  }
0x22: {  	[tilespmem:s23+$0x6830] =	vst v1  }
0x23: {  	[tilespmem:s23+$0x6840] =	vst v1  }
0x24: {  	[tilespmem:s23+$0x6850] =	vst v1  }
0x25: {  	[tilespmem:s23+$0x6860] =	vst v1;
	s23 =	sshra.s32 s24, $0x2;
	s24 =	sadd.s32 $0x200, s24  }
0x26: {  	[tilespmem:s23+$0x6870] =	vst v1  }
0x27: {  	[tilespmem:s23+$0x2800] =	vst v0  }
0x28: {  	[tilespmem:s23+$0x2810] =	vst v0  }
0x29: {  	[tilespmem:s23+$0x2820] =	vst v0  }
0x2a: {  	[tilespmem:s23+$0x2830] =	vst v0  }
0x2b: {  	[tilespmem:s23+$0x2840] =	vst v0  }
0x2c: {  	[tilespmem:s23+$0x2850] =	vst v0  }
0x2d: {  	[tilespmem:s23+$0x2860] =	vst v0  }
0x2e: {  	[tilespmem:s23+$0x2870] =	vst v0  }
0x2f: {  	[tilespmem:s23+$0x6800] =	vst v1  }
0x30: {  	[tilespmem:s23+$0x6810] =	vst v1  }
0x31: {  	[tilespmem:s23+$0x6820] =	vst v1  }
0x32: {  	[tilespmem:s23+$0x6830] =	vst v1  }
0x33: {  	[tilespmem:s23+$0x6840] =	vst v1  }
0x34: {  	[tilespmem:s23+$0x6850] =	vst v1  }
0x35: {  	[tilespmem:s23+$0x6860] =	vst v1;
	s23 =	simm.s32 @p0 $0x6800;
	s24 =	simm.s32 @p0 $0x2  }
0x36: {  	[spmem:s11] =	stream.linear.scatter @p0 [tilespmem:s23], [sflag:$0x2], $0x4000, $0x38;
	[tilespmem:$0x1E080] =	vst v63  }
0x37: {  	_ =	swait.ge @p0 [sflag:s24], $0x4000  }
0x38: {  	[sflag:s24] =	ssyncset.done @p0 $0x0  }
0x39: {  	[sflag:s24] =	ssyncadd.s32 @p0 $0xFFFFC000  }
0x3a: {  	[spmem:s16] =	stream.linear.scatter @p0 [tilespmem:s23], [sflag:$0x2], $0x4000, $0x38;
	[tilespmem:$0x1E080] =	vst v63  }
0x3b: {  	_ =	swait.ge @p0 [sflag:s24], $0x4000  }
0x3c: {  	[sflag:s24] =	ssyncset.done @p0 $0x0  }
0x3d: {  	[sflag:s24] =	ssyncadd.s32 @p0 $0xFFFFC000  }
0x3e: {  	[spmem:s17] =	stream.linear.scatter @p0 [tilespmem:s23], [sflag:$0x2], $0x4000, $0x38;
	[tilespmem:$0x1E080] =	vst v63  }
0x3f: {  	_ =	swait.ge @p0 [sflag:s24], $0x4000  }
0x40: {  	[sflag:s24] =	ssyncset.done @p0 $0x0  }
0x41: {  	[sflag:s24] =	ssyncadd.s32 @p0 $0xFFFFC000  }
0x42: {  	[spmem:s18] =	stream.linear.scatter @p0 [tilespmem:s23], [sflag:$0x2], $0x4000, $0x38;
	[tilespmem:$0x1E080] =	vst v63  }
0x43: {  	_ =	swait.ge @p0 [sflag:s24], $0x4000  }
0x44: {  	[sflag:s24] =	ssyncset.done @p0 $0x0  }
0x45: {  	[sflag:s24] =	ssyncadd.s32 @p0 $0xFFFFC000  }
0x46: {  	[spmem:s8] =	stream.linear.scatter @p0 [tilespmem:s23], [sflag:$0x2], $0x400, $0x38;
	[tilespmem:$0x1E080] =	vst v63  }
0x47: {  	_ =	swait.ge @p0 [sflag:s24], $0x400  }
0x48: {  	[sflag:s24] =	ssyncset.done @p0 $0x0  }
0x49: {  	s23 =	simm.s32 @!p0 $0x6800;
	[sflag:s24] =	ssyncadd.s32 @p0 $0xFFFFFC00;
	s24 =	simm.s32 @!p0 $0x2  }
0x4a: {  	[spmem:s6] =	stream.linear.scatter @!p0 [tilespmem:s23], [sflag:$0x2], $0x4000, $0x38;
	[tilespmem:$0x1E080] =	vst v63  }
0x4b: {  	_ =	swait.ge @!p0 [sflag:s24], $0x4000  }
0x4c: {  	[sflag:s24] =	ssyncset.done @!p0 $0x0  }
0x4d: {  	[sflag:s24] =	ssyncadd.s32 @!p0 $0xFFFFC000  }
0x4e: {  	[spmem:s13] =	stream.linear.scatter @!p0 [tilespmem:s23], [sflag:$0x2], $0x4000, $0x38;
	[tilespmem:$0x1E080] =	vst v63  }
0x4f: {  	_ =	swait.ge @!p0 [sflag:s24], $0x4000  }
0x50: {  	[sflag:s24] =	ssyncset.done @!p0 $0x0  }
0x51: {  	[sflag:s24] =	ssyncadd.s32 @!p0 $0xFFFFC000  }
0x52: {  	[spmem:s14] =	stream.linear.scatter @!p0 [tilespmem:s23], [sflag:$0x2], $0x4000, $0x38;
	[tilespmem:$0x1E080] =	vst v63  }
0x53: {  	_ =	swait.ge @!p0 [sflag:s24], $0x4000  }
0x54: {  	[sflag:s24] =	ssyncset.done @!p0 $0x0  }
0x55: {  	[sflag:s24] =	ssyncadd.s32 @!p0 $0xFFFFC000  }
0x56: {  	[spmem:s15] =	stream.linear.scatter @!p0 [tilespmem:s23], [sflag:$0x2], $0x4000, $0x38;
	[tilespmem:$0x1E080] =	vst v63  }
0x57: {  	_ =	swait.ge @!p0 [sflag:s24], $0x4000  }
0x58: {  	[sflag:s24] =	ssyncset.done @!p0 $0x0  }
0x59: {  	[sflag:s24] =	ssyncadd.s32 @!p0 $0xFFFFC000  }
0x5a: {  	[spmem:s7] =	stream.linear.scatter @!p0 [tilespmem:s23], [sflag:$0x2], $0x3C00, $0x38;
	[tilespmem:$0x1E080] =	vst v63  }
0x5b: {  	_ =	swait.ge @!p0 [sflag:s24], $0x3C00  }
0x5c: {  	p1 =	sle.u32 s4, $0x0;
	[sflag:s24] =	ssyncset.done @!p0 $0x0  }
0x5d: {  	s25 =	simm.s32 @!p1 $0x2800;
	p2 =	por @!p1 $0x1, $0x1;
	[sflag:s24] =	ssyncadd.s32 @!p0 $0xFFFFC400  }
0x5e: {  	s23 =	simm.s32 $0x0;
	s24 =	simm.s32 @!p1 $0x80;
	[bflag:$0x0] =	sbarrier.arrive $0xFFFF  }
0x5f: {  	[spmem:s2] =	stream.indirect.scatter.add.f32 @!p1 [tilespmem:s25], [sflag:$0x1], $0x80, s23, s24, $0xb8;
	[tilespmem:$0x1E080] =	vst v63  }
0x60: {  	p1 =	por p2, p1  }
0x61: {  	s25 =	simm.s32 @!p1 $0x1  }
0x62: {  	s24 =	simm.s32 $0x1;
	_ =	swait.ge @!p1 [sflag:s25], $0x4000  }
.LBB2_4:
0x63: {  	p2 =	sge.u32 s24, s4;
	[sflag:s25] =	ssyncset.done @!p1 $0x0  }
0x64: {  	s23 =	sadd.s32 $0x80, s23;
	s26 =	simm.s32 @!p2 $0x80;
	s28 =	simm.s32 @!p2 $0x2800  }
0x65: {  	[sflag:s25] =	ssyncadd.s32 @!p1 $0xFFFFC000;
	p1 =	slt.u32 @!p2 s24, $0x10;
	s24 =	sadd.s32 $0x1, s24  }
0x66: {  	[spmem:s2] =	stream.indirect.scatter.add.f32 @!p2 [tilespmem:s28], [sflag:$0x1], $0x80, s23, s26, $0xb8;
	[tilespmem:$0x1E080] =	vst v63  }
0x67: {  	p1 =	por p1, p2;
	p2 =	sne.s32 s24, $0x50  }
.Ltmp1:
0x68: {  	_ = 	snop;
	(pc) =	sbr.rel @p2 .LBB2_4-.Ltmp1, $3  }
0x69: {  	_ =	sdelay $0x1  }
0x6a: {  	s25 =	simm.s32 @!p1 $0x1  }
0x6b: {  	_ =	swait.ge @!p1 [sflag:s25], $0x4000  }
0x6c: {  	[sflag:s25] =	ssyncset.done @!p1 $0x0  }
0x6d: {  	[sflag:s25] =	ssyncadd.s32 @!p1 $0xFFFFC000  }
0x6e: {  	_ =	swait.ge [sflag:s20], $0x4000  }
0x6f: {  	[sflag:s20] =	ssyncset.done $0x0  }
0x70: {  	[sflag:s20] =	ssyncadd.s32 $0xFFFFC000  }
0x71: {  	_ =	swait.ge [sflag:s20], $0x4000  }
0x72: {  	[sflag:s20] =	ssyncset.done $0x0  }
0x73: {  	[sflag:s20] =	ssyncadd.s32 $0xFFFFC000  }
0x74: {  	_ =	swait.ge [sflag:s20], $0x4000  }
0x75: {  	[sflag:s20] =	ssyncset.done $0x0  }
0x76: {  	[sflag:s20] =	ssyncadd.s32 $0xFFFFC000  }
0x77: {  	_ =	swait.ge [sflag:s20], $0x4000  }
0x78: {  	[sflag:s20] =	ssyncset.done $0x0  }
0x79: {  	[sflag:s20] =	ssyncadd.s32 $0xFFFFC000  }
0x7a: {  	_ =	swait.ge [sflag:s20], $0x4000  }
0x7b: {  	[sflag:s20] =	ssyncset.done $0x0  }
0x7c: {  	[sflag:s20] =	ssyncadd.s32 $0xFFFFC000  }
0x7d: {  	_ =	swait.ge [sflag:s20], $0x4000  }
0x7e: {  	[sflag:s20] =	ssyncset.done $0x0  }
0x7f: {  	[sflag:s20] =	ssyncadd.s32 $0xFFFFC000  }
0x80: {  	_ =	swait.ge [sflag:s20], $0x4000  }
0x81: {  	[sflag:s20] =	ssyncset.done $0x0  }
0x82: {  	[sflag:s20] =	ssyncadd.s32 $0xFFFFC000  }
0x83: {  	_ =	swait.ge [sflag:s20], $0x4000  }
0x84: {  	[sflag:s20] =	ssyncset.done $0x0  }
0x85: {  	[sflag:s20] =	ssyncadd.s32 $0xFFFFC000  }
0x86: {  	_ =	swait.ge [sflag:s20], $0x4000  }
0x87: {  	[sflag:s20] =	ssyncset.done $0x0  }
0x88: {  	[sflag:s20] =	ssyncadd.s32 $0xFFFFC000  }
0x89: {  	_ =	swait.ge [sflag:s20], $0x4000  }
0x8a: {  	[sflag:s20] =	ssyncset.done $0x0  }
0x8b: {  	[sflag:s20] =	ssyncadd.s32 $0xFFFFC000  }
0x8c: {  	_ =	swait.ge [sflag:s20], $0x4000  }
0x8d: {  	[sflag:s20] =	ssyncset.done $0x0  }
0x8e: {  	[sflag:s20] =	ssyncadd.s32 $0xFFFFC000  }
0x8f: {  	_ =	swait.ge [sflag:s20], $0x4000  }
0x90: {  	[sflag:s20] =	ssyncset.done $0x0  }
0x91: {  	[sflag:s20] =	ssyncadd.s32 $0xFFFFC000  }
0x92: {  	_ =	swait.ge [sflag:s20], $0x4000  }
0x93: {  	[sflag:s20] =	ssyncset.done $0x0  }
0x94: {  	[sflag:s20] =	ssyncadd.s32 $0xFFFFC000  }
0x95: {  	_ =	swait.ge [sflag:s20], $0x4000  }
0x96: {  	[sflag:s20] =	ssyncset.done $0x0  }
0x97: {  	[sflag:s20] =	ssyncadd.s32 $0xFFFFC000  }
0x98: {  	_ =	swait.ge [sflag:s20], $0x4000  }
0x99: {  	[sflag:s20] =	ssyncset.done $0x0  }
0x9a: {  	[sflag:s20] =	ssyncadd.s32 $0xFFFFC000  }
0x9b: {  	_ =	swait.ge [sflag:s20], $0x4000  }
0x9c: {  	[sflag:s20] =	ssyncset.done $0x0  }
0x9d: {  	[sflag:s20] =	ssyncadd.s32 $0xFFFFC000  }
0x9e: {  	s23 =	simm.s32 @p0 $0x1FC2;
	[bflag:$0x0] =	sbarrier.arrive $0xFFFF  }
0x9f: {  	[hbm:s10], [sflag:s23] =	dma.local @p0 [spmem:s21], $0x2080  }
0xa0: {  	s23 =	simm.s32 @p0 $0x2  }
0xa1: {  	s22 =	sadd.s32 $0x1, s22;
	_ =	swait.ge @p0 [sflag:s23], $0x2080  }
0xa2: {  	s24 =	sshll.u32 @!p0 s1, $0x6;
	p1 =	sne.s32 s22, s12;
	[sflag:s23] =	ssyncset.done @p0 $0x0  }
0xa3: {  	[sflag:s23] =	ssyncadd.s32 @p0 $0xFFFFDF80;
	s23 =	sor.u32 @!p0 $0x1C02, s24;
	s24 =	sshrl.u32 @!p0 s6, $0x3  }
0xa4: {  	[hbm:s9], [sflag:s23] =	dma.local @!p0 [spmem:s24], $0x2780  }
.Ltmp2:
0xa5: {  	_ = 	snop;
	(pc) =	sbr.rel @p1 .LBB2_1-.Ltmp2, $4  }
0xa6: {  	s23 =	simm.s32 @!p0 $0x2  }
0xa7: {  	_ =	swait.ge @!p0 [sflag:s23], $0x2780  }
0xa8: {  	[sflag:s23] =	ssyncset.done @!p0 $0x0  }
0xa9: {  	[sflag:s23] =	ssyncadd.s32 @!p0 $0xFFFFD880  }
0xaa: {  	_ =	sfence.sel $0x180000  }
0xab: {  	[bflag:$0x0] =	sbarrier.arrive $0xFFFF  }
0xac: {  	p0 =	sne.s32 s1, $0x0;
	_ =	strace $0x90000047  }
0xad: {  	s0 =	sadd.s32 @!p0 $0x100000, s0;
	[bflag:$0x2] =	sbarrier.arrive $0xFFFF  }
0xae: {  	[sflag:s0] =	ssyncadd.tile.s32 @!p0 $0x1;
	_ =	shalt  }
.Lfunc_end2:
_tile_overlayer_lowered:
.L_overlay_start_2:
0xaf: {  	(tag) =	ssettag $0x2  }
0xb0: {  	s0 =	rddreg [dreg:$0x0];
	s2 =	stileid.u32  }
0xb1: {  	s1 =	rddreg [dreg:$0x1];
	p0 =	sne.s32 s2, $0x0  }
0xb2: {  	s3 =	rddreg [dreg:$0x2];
	[bflag:$0x3] =	sbarrier.arrive $0xFFFF;
	s2 =	simm.s32 @!p0 $0x1C02  }
0xb3: {  	[timem:s3], [sflag:s2] =	dma.local @!p0 [hbm:s0], s1  }
0xb4: {  	s0 =	simm.s32 @!p0 $0x2  }
0xb5: {  	_ =	swait.ge @!p0 [sflag:s0], s1  }
0xb6: {  	s1 =	ssub.s32 @!p0 $0x0, s1;
	[sflag:s0] =	ssyncset.done @!p0 $0x0  }
0xb7: {  	[sflag:s0] =	ssyncadd.s32 @!p0 s1  }
0xb8: {  	[bflag:$0x3] =	sbarrier.arrive $0xFFFF  }
0xb9: {  	_ =	shalt  }

// kernel: kernel.9.cloned.1.call-start
scs
__scs_entry_jumppad:
0x0: {  	(pc) =	sbr.rel $0x88, $3  }
0x1: {  	(tag) =	ssettag $0x0;
	lr =	simm.s32 $0x1  }
0x2: {  	[smem:$0x3F9D] =	sst lr;
	_ =	strace $0xD0000000  }
0x3: {  	_ = 	snop  }
0x4: {  	_ = 	snop  }
0x5: {  	_ = 	snop  }
0x6: {  	_ = 	snop  }
0x7: {  	_ = 	snop  }
__scs_overlays_trampoline_lowered:
0x8: {  	[smem:$0x3FAC] =	sst s0  }
0x9: {  	[smem:$0x3FAD] =	sst s1  }
0xa: {  	[smem:$0x3FAE] =	sst s2  }
0xb: {  	[smem:$0x3FAF] =	sst s3  }
0xc: {  	[smem:$0x3FB0] =	sst s4  }
0xd: {  	[smem:$0x3FB1] =	sst s5  }
0xe: {  	[smem:$0x3FB2] =	sst s6  }
0xf: {  	[smem:$0x3FB3] =	sst s7  }
0x10: {  	[smem:$0x3FB4] =	sst s8  }
0x11: {  	[smem:$0x3FB5] =	sst s9;
	s0 =	simm.s32 @!p0 $0x0  }
0x12: {  	s1 =	sld [smem:$0x3F9B];
	s0 =	simm.s32 @p0 $0x1  }
0x13: {  	[smem:$0x3FB6] =	sst s0;
	s0 =	simm.s32 @!p1 $0x0  }
0x14: {  	s2 =	sld [smem:$0x3F9A];
	s0 =	simm.s32 @p1 $0x1  }
0x15: {  	[smem:$0x3FB7] =	sst s0;
	s0 =	simm.s32 @!p2 $0x0  }
0x16: {  	s3 =	sld [smem:$0x3FDB];
	s0 =	simm.s32 @p2 $0x1  }
0x17: {  	s4 =	simm.s32 $0x1BF5;
	[smem:$0x3FB9] =	sst s0  }
0x18: {  	s0 =	sld [smem:$0x3F9C];
	_ =	swait.ge [sflag:s4], $0x0  }
0x19: {  	s7 =	sld [smem:$0x3F9D]  }
0x1a: {  	s8 =	sadd.s32 $0xFFFFE003, lr  }
0x1b: {  	s9 =	sadd.s32 $0xFFFFFEF7, lr;
	s5 =	simm.s32 $0xFFFFFFFF;
	p2 =	slt.u32 s8, $0xFFFFF086  }
0x1c: {  	p1 =	slt.u32 s9, $0xF7A;
	s5 =	simm.s32 @!p2 $0x0  }
0x1d: {  	s5 =	simm.s32 @p1 $0x1;
	p0 =	seq.s32 s7, s2  }
0x1e: {  	s7 =	smul.u32 @!p0 $0xF7A, s2;
	p2 =	seq.s32 @!p0 s5, $0x0  }
0x1f: {  	s9 =	smul.u32 $0xF7A, s1;
	s8 =	simm.s32 @!p0 $0x1BF5;
	p2 =	por !p2, p0  }
0x20: {  	[sflag:s8] =	ssyncset.s32 @!p0 $0xFFFFF086;
	s6 =	sadd.s32 @!p0 s3, s7;
	s7 =	simm.s32 @!p0 $0x108  }
0x21: {  	s3 =	sadd.s32 s3, s9;
	s6 =	sadd.s32 @!p0 $0x88, s6;
	s7 =	simm.s32 @p2 $0x1082  }
0x22: {  	[simem:s7], [sflag:s8] =	dma.local @!p0 [hbm:s6], $0xF7A  }
0x23: {  	s9 =	sor.u32 $0xD0000000, s2;
	s6 =	simm.s32 $0x108;
	_ =	swait.ge @!p0 [sflag:s8], $0x0  }
0x24: {  	s3 =	sadd.s32 $0x88, s3;
	s6 =	simm.s32 @!p1 $0x1082;
	[sflag:s4] =	ssyncset.s32 $0xFFFFF086  }
0x25: {  	[simem:s6], [sflag:s4] =	dma.local [hbm:s3], $0xF7A  }
0x26: {  	[smem:$0x3F9D] =	sst s1;
	(tag) =	ssettag s2;
	_ =	strace s9  }
0x27: {  	s1 =	sld [smem:$0x3FAD]  }
0x28: {  	s2 =	sld [smem:$0x3FAE]  }
0x29: {  	s4 =	sld [smem:$0x3FB0]  }
0x2a: {  	p0 =	seq.s32 s5, $0x0;
	s5 =	sld [smem:$0x3FB1]  }
0x2b: {  	s6 =	sld [smem:$0x3FB2]  }
0x2c: {  	s7 =	sld [smem:$0x3FB3]  }
0x2d: {  	s3 =	simm.s32 $0x108;
	s8 =	sld [smem:$0x3FB4]  }
0x2e: {  	s3 =	simm.s32 @!p0 $0x1082;
	s9 =	sld [smem:$0x3FB5]  }
0x2f: {  	lr =	sadd.s32 s0, s3;
	s0 =	sld [smem:$0x3FAC]  }
0x30: {  	s3 =	sld [smem:$0x3FAF]  }
0x31: {  	[smem:$0x3FB8] =	sst s10  }
0x32: {  	s10 =	sld [smem:$0x3FB6];
	_ =	sdelay $0x3  }
0x33: {  	p0 =	seq.s32 s10, $0x1;
	s10 =	sld [smem:$0x3FB8];
	_ =	sdelay $0x3  }
0x34: {  	[smem:$0x3FB8] =	sst s10  }
0x35: {  	s10 =	sld [smem:$0x3FB7];
	_ =	sdelay $0x3  }
0x36: {  	p1 =	seq.s32 s10, $0x1;
	s10 =	sld [smem:$0x3FB8];
	_ =	sdelay $0x3  }
0x37: {  	[smem:$0x3FB8] =	sst s10  }
0x38: {  	s10 =	sld [smem:$0x3FB9]  }
0x39: {  	_ = 	snop;
	(pc) =	sbr.ind lr, $3  }
0x3a: {  	_ = 	snop  }
0x3b: {  	_ = 	snop  }
0x3c: {  	p2 =	seq.s32 s10, $0x1;
	s10 =	sld [smem:$0x3FB8]  }
0x3d: {  	_ =	shalt  }
0x3e: {  	_ =	shalt  }
0x3f: {  	_ =	shalt  }
0x40: {  	_ =	shalt  }
0x41: {  	_ =	shalt  }
0x42: {  	_ =	shalt  }
0x43: {  	_ =	shalt  }
0x44: {  	_ =	shalt  }
0x45: {  	_ =	shalt  }
0x46: {  	_ =	shalt  }
0x47: {  	_ =	shalt  }
0x48: {  	_ =	shalt  }
0x49: {  	_ =	shalt  }
0x4a: {  	_ =	shalt  }
0x4b: {  	_ =	shalt  }
0x4c: {  	_ =	shalt  }
0x4d: {  	_ =	shalt  }
0x4e: {  	_ =	shalt  }
0x4f: {  	_ =	shalt  }
0x50: {  	_ =	shalt  }
0x51: {  	_ =	shalt  }
0x52: {  	_ =	shalt  }
0x53: {  	_ =	shalt  }
0x54: {  	_ =	shalt  }
0x55: {  	_ =	shalt  }
0x56: {  	_ =	shalt  }
0x57: {  	_ =	shalt  }
0x58: {  	_ =	shalt  }
0x59: {  	_ =	shalt  }
0x5a: {  	_ =	shalt  }
0x5b: {  	_ =	shalt  }
0x5c: {  	_ =	shalt  }
0x5d: {  	_ =	shalt  }
0x5e: {  	_ =	shalt  }
0x5f: {  	_ =	shalt  }
0x60: {  	_ =	shalt  }
0x61: {  	_ =	shalt  }
0x62: {  	_ =	shalt  }
0x63: {  	_ =	shalt  }
0x64: {  	_ =	shalt  }
0x65: {  	_ =	shalt  }
0x66: {  	_ =	shalt  }
0x67: {  	_ =	shalt  }
0x68: {  	_ =	shalt  }
0x69: {  	_ =	shalt  }
0x6a: {  	_ =	shalt  }
0x6b: {  	_ =	shalt  }
0x6c: {  	_ =	shalt  }
0x6d: {  	_ =	shalt  }
0x6e: {  	_ =	shalt  }
0x6f: {  	_ =	shalt  }
0x70: {  	_ =	shalt  }
0x71: {  	_ =	shalt  }
0x72: {  	_ =	shalt  }
0x73: {  	_ =	shalt  }
0x74: {  	_ =	shalt  }
0x75: {  	_ =	shalt  }
0x76: {  	_ =	shalt  }
0x77: {  	_ =	shalt  }
0x78: {  	_ =	shalt  }
0x79: {  	_ =	shalt  }
0x7a: {  	_ =	shalt  }
0x7b: {  	_ =	shalt  }
0x7c: {  	_ =	shalt  }
0x7d: {  	_ =	shalt  }
0x7e: {  	_ =	shalt  }
0x7f: {  	_ =	shalt  }
0x80: {  	_ =	shalt  }
0x81: {  	_ =	shalt  }
0x82: {  	_ =	shalt  }
0x83: {  	_ =	shalt  }
0x84: {  	_ =	shalt  }
0x85: {  	_ =	shalt  }
0x86: {  	_ =	shalt  }
0x87: {  	_ =	shalt  }
.Lfunc_end0:
.L_simem_size_0:
called_computation.1_lowered:
.L_overlay_start_0:
0x88: {  	s2 =	sld [smem:$0x3FD9]  }
0x89: {  	s3 =	sld [smem:$0x3FFE];
	_ =	sdelay $0x1  }
0x8a: {  	s1 =	srdreg.scid  }
0x8b: {  	s0 =	sand.u32 $0x1, s1  }
0x8c: {  	s17 =	sshll.u32 s0, $0xA;
	s2 =	sadd.s32 s3, s2  }
0x8d: {  	s2 =	sadd.s32 s2, s17  }
0x8e: {  	[smem:$0x3FC4] =	sst s2  }
0x8f: {  	_ = 	snop  }
0x90: {  	s2 =	sld [smem:$0x3FD0];
	(tm) =	ssettm $0x1  }
0x91: {  	s18 =	sld [smem:$0x3FFB];
	_ =	sdelay $0x3  }
0x92: {  	_ =	strace s18  }
0x93: {  	s3 =	sld [smem:$0x3FFC];
	_ =	sdelay $0x3  }
0x94: {  	_ =	strace s3  }
0x95: {  	s3 =	sld [smem:$0x3FFD];
	_ =	sdelay $0x3  }
0x96: {  	_ =	strace s3  }
0x97: {  	_ =	strace $0x8FFFFFFF  }
0x98: {  	s19 =	sld [smem:$0x3FDB];
	_ =	sdelay $0x1  }
0x99: {  	s4 =	simm.s32 $_scs_section_size  }
0x9a: {  	s5 =	simm.s32 $_size__tile_overlayer_lowered;
	s6 =	simm.s32 $_tile_overlayer_lowered  }
0x9b: {  	s22 =	simm.s32 $0x1BFF;
	s21 =	sshll.u32 s6, $0x1;
	s3 =	sadd.s32 s4, s19  }
0x9c: {  	s7 =	simm.s32 $0x0;
	s20 =	sshll.u32 s5, $0x1;
	s5 =	sadd.s32 s21, s3  }
0x9d: {  	[timem:s7], [sflag:s22] =	dma.local [hbm:s5], s20  }
0x9e: {  	_ =	swait.ge [sflag:s22], s20  }
0x9f: {  	s4 =	ssub.s32 $0x0, s20;
	[sflag:s22] =	ssyncset.done $0x0  }
0xa0: {  	[sflag:s22] =	ssyncadd.s32 s4;
	_ =	sdelay $0x1  }
0xa1: {  	s23 =	simm.s32 $0x1B8B  }
0xa2: {  	_ =	swait.ge [sflag:s23], $0x1  }
0xa3: {  	[sflag:s23] =	ssyncset.done $0x0  }
0xa4: {  	s25 =	simm.s32 $0x1B8E;
	s24 =	sld [smem:$0x3FFE];
	[sflag:s23] =	ssyncadd.s32 $0xFFFFFFFF  }
0xa5: {  	s26 =	simm.s32 $execute0_lowered;
	[smem:$0x3FD2] =	sst s25  }
0xa6: {  	s5 =	sshll.u32 s26, $0x1;
	_ =	strace $0x80000049;
	[dreg:$0x1] =	wrdreg $0xFFFFFFFF  }
0xa7: {  	s28 =	simm.s32 $_size_execute0_lowered;
	s3 =	sadd.s32 s3, s5;
	[dreg:$0x0] =	wrdreg $0x0  }
0xa8: {  	s5 =	sshll.u32 s28, $0x1;
	[dreg:$0x2] =	wrdreg s3  }
0xa9: {  	[dreg:$0x3] =	wrdreg s5  }
0xaa: {  	[dreg:$0x4] =	wrdreg $0xC0  }
0xab: {  	_ =	task [dreg:s7], $0x5FFFF  }
0xac: {  	[dreg:$0x1] =	wrdreg $0xFFFFFFFF  }
0xad: {  	[dreg:$0x0] =	wrdreg $0x60  }
0xae: {  	[dreg:$0x2] =	wrdreg s2  }
0xaf: {  	[dreg:$0x3] =	wrdreg s24  }
0xb0: {  	[dreg:$0x4] =	wrdreg $0xA8000  }
0xb1: {  	[dreg:$0x5] =	wrdreg $0x9  }
0xb2: {  	_ =	task.clear_ibuf [dreg:s7], $0x6FFFF;
	_ =	strace $0x90000049  }
0xb3: {  	s29 =	simm.s32 $0x9;
	_ =	strace $0x8000004B  }
0xb4: {  	_ =	swait.ge [sflag:s29], $0x1  }
0xb5: {  	[sflag:s29] =	ssyncadd.s32 $0xFFFFFFFF  }
0xb6: {  	_ =	strace $0x9000004B  }
0xb7: {  	_ =	sfence  }
0xb8: {  	s30 =	sld [smem:$0x0];
	_ =	sdelay $0x2  }
0xb9: {  	s31 =	sshll.u32 s1, $0xD;
	s1 =	sshrl.u32 s1, $0x2  }
0xba: {  	s3 =	sand.u32 $0x4000, s31;
	s1 =	sadd.s32 s1, s30  }
0xbb: {  	s0 =	sor.u32 s3, s0;
	s1 =	sshll.u32 s1, $0x11  }
0xbc: {  	s0 =	sor.u32 s1, s0  }
0xbd: {  	s0 =	sadd.s32 $0x8F2B, s0  }
0xbe: {  	[sflag:s0] =	ssyncadd.remote.s32 $0x1  }
0xbf: {  	_ =	sfence.sel $0xFFFF  }
0xc0: {  	[dreg:$0x0] =	wrdreg $0xFFFFFFFF;
	(pc) =	sbr.abs _section_cstart, $3  }
0xc1: {  	[dreg:$0x1] =	wrdreg $0xFFFFFFFF  }
0xc2: {  	_ =	task.clear_ibuf [dreg:s7], $0x2FFFF;
	_ =	strace $0x9FFFFFFF  }
0xc3: {  	(tm) =	ssettm $0x7FFFFFFF  }
tec
execute0_lowered:
.L_overlay_start_1:
0x0: {  	(tag) =	ssettag $0x1  }
0x1: {  	s1 =	rddreg [dreg:$0x0]  }
0x2: {  	s0 =	rddreg [dreg:$0x1]  }
0x3: {  	s2 =	rddreg [dreg:$0x2];
	s4 =	simm.s32 $0x0;
	s3 =	srdreg.scid  }
0x4: {  	s12 =	stileid.u32;
	s28 =	simm.s32 $0x6800;
	s29 =	simm.s32 $0x1  }
0x5: {  	s30 =	simm.s32 $0x3;
	s31 =	simm.s32 $0x2;
	s5 =	smul.u32 $0x4F000, s12  }
0x6: {  	[smem:$0x7FF] =	sst s4;
	s6 =	sadd.s32 $0xB200, s0;
	s16 =	smul.u32 $0x500, s12  }
0x7: {  	s7 =	sadd.s32 $0x10200, s0;
	s0 =	sadd.s32 $0x15200, s0;
	s11 =	smul.u32 $0x2800, s12  }
0x8: {  	p0 =	seq.s32 s12, $0xF;
	s17 =	sadd.s32 $0x138400, s2;
	s20 =	smul.u32 $0x27800, s12  }
0x9: {  	s3 =	sand.u32 $0x1, s3;
	s14 =	sadd.s32 $0x128400, s2;
	_ =	strace $0x8000004A  }
0xa: {  	s8 =	ssub.s32 $0x2, s3;
	[dreg:$0x5] =	wrdreg s17;
	s21 =	sshll.u32 s3, $0xA  }
0xb: {  	s23 =	sshll.u32 s3, $0x7;
	s9 =	sshrl.u32 s8, $0x1;
	s5 =	sshrl.u32 s5, $0x2  }
0xc: {  	s18 =	sadd.s32 s6, s16;
	s19 =	sshrl.u32 s11, $0x3;
	s22 =	sor.u32 s21, s20  }
0xd: {  	s24 =	sadd.s32 s23, s0;
	s20 =	sadd.s32 $0x12C400, s2;
	s21 =	sadd.s32 $0x130400, s2  }
0xe: {  	s23 =	simm.s32 $0x5;
	s8 =	ssub.s32 s8, s9;
	s5 =	sadd.s32 s5, s2  }
0xf: {  	[dreg:$0x6] =	wrdreg s18;
	s9 =	sadd.s32 s7, s16;
	s25 =	sadd.s32 $0x4A100, s24  }
0x10: {  	s10 =	sadd.s32 $0x10000, s5;
	[dreg:$0x7] =	wrdreg s9;
	s9 =	sadd.s32 $0x280, s19  }
0x11: {  	[dreg:$0xb] =	wrdreg s25;
	s26 =	sadd.s32 $0x4000, s5;
	s17 =	sadd.s32 $0x8000, s5  }
0x12: {  	s18 =	sadd.s32 $0xC000, s5;
	s19 =	smax.u32 s8, $0x1;
	s8 =	simm.s32 $0x1400  }
0x13: {  	s25 =	simm.s32 $0x80;
	[dreg:$0x4] =	wrdreg s10;
	s10 =	simm.s32 $0xA  }
0x14: {  	s6 =	sadd.s32 s6, s9;
	s7 =	sadd.s32 s7, s9;
	[dreg:$0xc] =	wrdreg s26  }
0x15: {  	s26 =	simm.s32 $0x2800;
	[dreg:$0x8] =	wrdreg s6;
	s6 =	sshrl.u32 s22, $0x3  }
0x16: {  	s10 =	simm.s32 @!p0 $0x28;
	[dreg:$0x9] =	wrdreg s7;
	s0 =	sadd.s32 s0, s6  }
0x17: {  	v1 =	vimm.f32 $0.0e+00;
	v0 =	vmov s3;
	s22 =	sadd.s32 $0x134400, s2;
	[dreg:$0xa] =	wrdreg s0;
	s0 =	simm.s32 $0x4  }
.LBB2_1:
0x18: {  	s3 =	simm.s32 $0x0;
	s6 =	simm.s32 $0x200  }
.LBB2_2:
0x19: {  	p1 =	sne.s32 s6, $0xFE00;
	[tilespmem:s3+$0x2870] =	vst v1  }
0x1a: {  	[tilespmem:s3+$0x2800] =	vst v1  }
0x1b: {  	[tilespmem:s3+$0x2810] =	vst v1  }
.Ltmp0:
0x1c: {  	[tilespmem:s3+$0x2820] =	vst v1;
	(pc) =	sbr.rel @p1 .LBB2_2-.Ltmp0, $4  }
0x1d: {  	[tilespmem:s3+$0x2830] =	vst v1  }
0x1e: {  	[tilespmem:s3+$0x2840] =	vst v1  }
0x1f: {  	[tilespmem:s3+$0x2850] =	vst v1  }
0x20: {  	[tilespmem:s3+$0x2860] =	vst v1;
	s3 =	sshra.s32 s6, $0x2;
	s6 =	sadd.s32 $0x200, s6  }
0x21: {  	[tilespmem:s3+$0x2870] =	vst v1  }
0x22: {  	[tilespmem:s3+$0x2800] =	vst v1  }
0x23: {  	[tilespmem:s3+$0x2810] =	vst v1  }
0x24: {  	[tilespmem:s3+$0x2820] =	vst v1  }
0x25: {  	[tilespmem:s3+$0x2830] =	vst v1  }
0x26: {  	[tilespmem:s3+$0x2840] =	vst v1  }
0x27: {  	[tilespmem:s3+$0x2850] =	vst v1  }
0x28: {  	[tilespmem:s3+$0x2860] =	vst v1;
	s3 =	simm.s32 @p0 $0x2800;
	s6 =	simm.s32 @p0 $0x5  }
0x29: {  	[spmem:s14] =	stream.linear.scatter @p0 [tilespmem:s3], [sflag:$0x5], $0x4000, $0x38;
	[tilespmem:$0x1E080] =	vst v63  }
0x2a: {  	_ =	swait.ge @p0 [sflag:s6], $0x4000  }
0x2b: {  	[sflag:s6] =	ssyncset.done @p0 $0x0  }
0x2c: {  	[sflag:s6] =	ssyncadd.s32 @p0 $0xFFFFC000  }
0x2d: {  	[spmem:s20] =	stream.linear.scatter @p0 [tilespmem:s3], [sflag:$0x5], $0x4000, $0x38;
	[tilespmem:$0x1E080] =	vst v63  }
0x2e: {  	_ =	swait.ge @p0 [sflag:s6], $0x4000  }
0x2f: {  	[sflag:s6] =	ssyncset.done @p0 $0x0  }
0x30: {  	[sflag:s6] =	ssyncadd.s32 @p0 $0xFFFFC000  }
0x31: {  	[spmem:s21] =	stream.linear.scatter @p0 [tilespmem:s3], [sflag:$0x5], $0x4000, $0x38;
	[tilespmem:$0x1E080] =	vst v63  }
0x32: {  	_ =	swait.ge @p0 [sflag:s6], $0x4000  }
0x33: {  	[sflag:s6] =	ssyncset.done @p0 $0x0  }
0x34: {  	[sflag:s6] =	ssyncadd.s32 @p0 $0xFFFFC000  }
0x35: {  	[spmem:s22] =	stream.linear.scatter @p0 [tilespmem:s3], [sflag:$0x5], $0x4000, $0x38;
	[tilespmem:$0x1E080] =	vst v63  }
0x36: {  	_ =	swait.ge @p0 [sflag:s6], $0x4000  }
0x37: {  	[sflag:s6] =	ssyncset.done @p0 $0x0  }
0x38: {  	s7 =	rddreg [dreg:$0x5];
	[sflag:s6] =	ssyncadd.s32 @p0 $0xFFFFC000  }
0x39: {  	[spmem:s7] =	stream.linear.scatter @p0 [tilespmem:s3], [sflag:$0x5], $0x400, $0x38;
	[tilespmem:$0x1E080] =	vst v63  }
0x3a: {  	_ =	swait.ge @p0 [sflag:s6], $0x400  }
0x3b: {  	[sflag:s6] =	ssyncset.done @p0 $0x0  }
0x3c: {  	s3 =	simm.s32 @!p0 $0x2800;
	[sflag:s6] =	ssyncadd.s32 @p0 $0xFFFFFC00;
	s6 =	simm.s32 @!p0 $0x5  }
0x3d: {  	[spmem:s5] =	stream.linear.scatter @!p0 [tilespmem:s3], [sflag:$0x5], $0x4000, $0x38;
	[tilespmem:$0x1E080] =	vst v63  }
0x3e: {  	_ =	swait.ge @!p0 [sflag:s6], $0x4000  }
0x3f: {  	[sflag:s6] =	ssyncset.done @!p0 $0x0  }
0x40: {  	s7 =	rddreg [dreg:$0xc];
	[sflag:s6] =	ssyncadd.s32 @!p0 $0xFFFFC000  }
0x41: {  	[spmem:s7] =	stream.linear.scatter @!p0 [tilespmem:s3], [sflag:$0x5], $0x4000, $0x38;
	[tilespmem:$0x1E080] =	vst v63  }
0x42: {  	_ =	swait.ge @!p0 [sflag:s6], $0x4000  }
0x43: {  	[sflag:s6] =	ssyncset.done @!p0 $0x0  }
0x44: {  	[sflag:s6] =	ssyncadd.s32 @!p0 $0xFFFFC000  }
0x45: {  	[spmem:s17] =	stream.linear.scatter @!p0 [tilespmem:s3], [sflag:$0x5], $0x4000, $0x38;
	[tilespmem:$0x1E080] =	vst v63  }
0x46: {  	_ =	swait.ge @!p0 [sflag:s6], $0x4000  }
0x47: {  	[sflag:s6] =	ssyncset.done @!p0 $0x0  }
0x48: {  	[sflag:s6] =	ssyncadd.s32 @!p0 $0xFFFFC000  }
0x49: {  	[spmem:s18] =	stream.linear.scatter @!p0 [tilespmem:s3], [sflag:$0x5], $0x4000, $0x38;
	[tilespmem:$0x1E080] =	vst v63  }
0x4a: {  	_ =	swait.ge @!p0 [sflag:s6], $0x4000  }
0x4b: {  	[sflag:s6] =	ssyncset.done @!p0 $0x0  }
0x4c: {  	s7 =	rddreg [dreg:$0x4];
	[sflag:s6] =	ssyncadd.s32 @!p0 $0xFFFFC000  }
0x4d: {  	[spmem:s7] =	stream.linear.scatter @!p0 [tilespmem:s3], [sflag:$0x5], $0x3C00, $0x38;
	[tilespmem:$0x1E080] =	vst v63  }
0x4e: {  	_ =	swait.ge @!p0 [sflag:s6], $0x3C00  }
0x4f: {  	[sflag:s6] =	ssyncset.done @!p0 $0x0  }
0x50: {  	[sflag:s6] =	ssyncadd.s32 @!p0 $0xFFFFC400  }
0x51: {  	[bflag:$0x0] =	sbarrier.arrive $0xFFFF  }
0x52: {  	s15 =	simm.s32 $0x0;
	s16 =	rddreg [dreg:$0x6]  }
0x53: {  	[tilespmem:s15], [sflag:$0x5] =	stream.linear.gather [hbm4b:s16+s15], $0x1400, $0x38;
	[tilespmem:$0x1E080] =	vst v63  }
0x54: {  	_ =	swait.ge [sflag:s23], $0x1400  }
0x55: {  	[sflag:s23] =	ssyncset.done $0x0  }
0x56: {  	s24 =	rddreg [dreg:$0x7];
	[sflag:s23] =	ssyncadd.s32 $0xFFFFEC00  }
0x57: {  	[tilespmem:s8], [sflag:$0x5] =	stream.linear.gather [hbm4b:s24+s15], $0x1400, $0x38;
	[tilespmem:$0x1E080] =	vst v63  }
0x58: {  	_ =	swait.ge [sflag:s23], $0x1400  }
0x59: {  	[sflag:s23] =	ssyncset.done $0x0  }
0x5a: {  	s3 =	simm.s32 $0x0;
	[sflag:s23] =	ssyncadd.s32 $0xFFFFEC00  }
0x5b: {  	v3 =	vld [tilespmem:s3+$0x0]  }
0x5c: {  	v4 =	vld [tilespmem:s3+$0x10]  }
0x5d: {  	v6 =	vld [tilespmem:s3+$0x20]  }
0x5e: {  	v5 =	vld [tilespmem:s3+$0x30]  }
0x5f: {  	v2 =	vld [tilespmem:s3+$0x40]  }
0x60: {  	v7 =	vshll.u32 v3, $0x1;
	v3 =	vld [tilespmem:s3+$0x50]  }
0x61: {  	s6 =	simm.s32 $0x200;
	v8 =	vshll.u32 v4, $0x1;
	v4 =	vld [tilespmem:s3+$0x60];
	v7 =	vor.u32 v0, v7  }
.LBB2_4:
0x62: {  	s7 =	sshra.s32 s6, $0x2;
	p1 =	sne.s32 s6, $0x4E00;
	[tilespmem:s3+$0x0] =	vst v7;
	v7 =	vor.u32 v0, v8;
	v6 =	vshll.u32 v6, $0x1;
	v8 =	vld [tilespmem:s3+$0x70]  }
0x63: {  	v9 =	vld [tilespmem:s7+$0x0];
	[tilespmem:s3+$0x10] =	vst v7;
	v6 =	vor.u32 v0, v6;
	v5 =	vshll.u32 v5, $0x1  }
0x64: {  	v10 =	vld [tilespmem:s7+$0x10];
	[tilespmem:s3+$0x20] =	vst v6;
	v5 =	vor.u32 v0, v5;
	v2 =	vshll.u32 v2, $0x1  }
.Ltmp1:
0x65: {  	v6 =	vld [tilespmem:s7+$0x20];
	[tilespmem:s3+$0x30] =	vst v5;
	v2 =	vor.u32 v0, v2;
	v3 =	vshll.u32 v3, $0x1;
	(pc) =	sbr.rel @p1 .LBB2_4-.Ltmp1, $4  }
0x66: {  	v5 =	vld [tilespmem:s7+$0x30];
	[tilespmem:s3+$0x40] =	vst v2;
	v3 =	vor.u32 v0, v3;
	v4 =	vshll.u32 v4, $0x1  }
0x67: {  	v2 =	vld [tilespmem:s7+$0x40];
	[tilespmem:s3+$0x50] =	vst v3;
	v4 =	vor.u32 v0, v4;
	v7 =	vshll.u32 v8, $0x1  }
0x68: {  	v8 =	vshll.u32 v9, $0x1;
	v3 =	vld [tilespmem:s7+$0x50];
	[tilespmem:s3+$0x60] =	vst v4;
	v9 =	vor.u32 v0, v7  }
0x69: {  	s6 =	sadd.s32 $0x200, s6;
	v7 =	vor.u32 v0, v8;
	v8 =	vshll.u32 v10, $0x1;
	v4 =	vld [tilespmem:s7+$0x60];
	[tilespmem:s3+$0x70] =	vst v9;
	s3 =	smov.u32 s7  }
0x6a: {  	[tilespmem:s3+$0x0] =	vst v7;
	v62 =	vor.u32 v0, v8;
	v6 =	vshll.u32 v6, $0x1;
	v63 =	vld [tilespmem:s3+$0x70]  }
0x6b: {  	[tilespmem:s3+$0x10] =	vst v62;
	v6 =	vor.u32 v0, v6;
	v5 =	vshll.u32 v5, $0x1  }
0x6c: {  	[tilespmem:s3+$0x20] =	vst v6;
	v5 =	vor.u32 v0, v5;
	v2 =	vshll.u32 v2, $0x1  }
0x6d: {  	[tilespmem:s3+$0x30] =	vst v5;
	v2 =	vor.u32 v0, v2;
	v3 =	vshll.u32 v3, $0x1  }
0x6e: {  	[tilespmem:s3+$0x40] =	vst v2;
	v2 =	vor.u32 v0, v3;
	v3 =	vshll.u32 v4, $0x1  }
0x6f: {  	[tilespmem:s3+$0x50] =	vst v2;
	v2 =	vor.u32 v0, v3;
	v3 =	vshll.u32 v63, $0x1  }
0x70: {  	[tilespmem:s3+$0x60] =	vst v2;
	v2 =	vor.u32 v0, v3  }
0x71: {  	s13 =	simm.s32 $0x0;
	[tilespmem:s3+$0x70] =	vst v2  }
0x72: {  	[tilespmem:s26], [sflag:$0x1] =	stream.indirect.gather [hbm4b:s1+s25], $0x80, s13, s25, $0xb8;
	[tilespmem:$0x1E080] =	vst v63  }
0x73: {  	_ = 	snop  }
0x74: {  	[tilespmem:s28], [sflag:$0x2] =	stream.indirect.gather [hbm4b:s1+s25], $0x80, s25, s25, $0xb8;
	[tilespmem:$0x1E080] =	vst v63  }
0x75: {  	_ =	swait.ge [sflag:s29], $0x4000  }
0x76: {  	[sflag:s29] =	ssyncset.done $0x0  }
0x77: {  	s15 =	simm.s32 $0x1400;
	[sflag:s29] =	ssyncadd.s32 $0xFFFFC000  }
0x78: {  	[spmem:s2] =	stream.indirect.scatter.add.f32 [tilespmem:s26], [sflag:$0x3], $0x80, s15, s25, $0xb8;
	[tilespmem:$0x1E080] =	vst v63  }
0x79: {  	_ =	swait.ge [sflag:s30], $0x4000  }
0x7a: {  	[sflag:s30] =	ssyncset.done $0x0  }
0x7b: {  	s16 =	simm.s32 $0x100;
	[sflag:s30] =	ssyncadd.s32 $0xFFFFC000  }
0x7c: {  	[tilespmem:s26], [sflag:$0x1] =	stream.indirect.gather [hbm4b:s1+s25], $0x80, s16, s25, $0xb8;
	[tilespmem:$0x1E080] =	vst v63  }
0x7d: {  	_ =	swait.ge [sflag:s31], $0x4000  }
0x7e: {  	[sflag:s31] =	ssyncset.done $0x0  }
0x7f: {  	s24 =	simm.s32 $0x1480;
	[sflag:s31] =	ssyncadd.s32 $0xFFFFC000  }
0x80: {  	[spmem:s2] =	stream.indirect.scatter.add.f32 [tilespmem:s28], [sflag:$0x4], $0x80, s24, s25, $0xb8;
	[tilespmem:$0x1E080] =	vst v63  }
0x81: {  	_ =	swait.ge [sflag:s0], $0x4000  }
0x82: {  	[sflag:s0] =	ssyncset.done $0x0  }
0x83: {  	s6 =	simm.s32 $0x180;
	s3 =	simm.s32 $0x400;
	[sflag:s0] =	ssyncadd.s32 $0xFFFFC000  }
.LBB2_6:
0x84: {  	[tilespmem:s28], [sflag:$0x2] =	stream.indirect.gather [hbm4b:s1+s25], $0x80, s6, s25, $0xb8;
	[tilespmem:$0x1E080] =	vst v63  }
0x85: {  	s6 =	smov.u32 s3  }
0x86: {  	p1 =	sne.s32 s3, $0x4800;
	s3 =	sadd.s32 $0x400, s3;
	_ =	swait.ge [sflag:s29], $0x4000  }
0x87: {  	s6 =	sshra.s32 s6, $0x2;
	[sflag:s29] =	ssyncset.done $0x0  }
0x88: {  	s7 =	sadd.s32 $0x1400, s6;
	[sflag:s29] =	ssyncadd.s32 $0xFFFFC000  }
0x89: {  	[spmem:s2] =	stream.indirect.scatter.add.f32 [tilespmem:s26], [sflag:$0x3], $0x80, s7, s25, $0xb8;
	[tilespmem:$0x1E080] =	vst v63  }
0x8a: {  	_ =	swait.ge [sflag:s30], $0x4000  }
0x8b: {  	[sflag:s30] =	ssyncset.done $0x0  }
0x8c: {  	s7 =	sadd.s32 $0x100, s6;
	[sflag:s30] =	ssyncadd.s32 $0xFFFFC000  }
0x8d: {  	[tilespmem:s26], [sflag:$0x1] =	stream.indirect.gather [hbm4b:s1+s25], $0x80, s7, s25, $0xb8;
	[tilespmem:$0x1E080] =	vst v63  }
0x8e: {  	_ =	swait.ge [sflag:s31], $0x4000  }
0x8f: {  	[sflag:s31] =	ssyncset.done $0x0  }
.Ltmp2:
0x90: {  	s7 =	sadd.s32 $0x1480, s6;
	[sflag:s31] =	ssyncadd.s32 $0xFFFFC000;
	(pc) =	sbr.rel @p1 .LBB2_6-.Ltmp2, $4  }
0x91: {  	[spmem:s2] =	stream.indirect.scatter.add.f32 [tilespmem:s28], [sflag:$0x4], $0x80, s7, s25, $0xb8;
	[tilespmem:$0x1E080] =	vst v63  }
0x92: {  	_ =	swait.ge [sflag:s0], $0x4000  }
0x93: {  	[sflag:s0] =	ssyncset.done $0x0  }
0x94: {  	s6 =	sadd.s32 $0x180, s6;
	[sflag:s0] =	ssyncadd.s32 $0xFFFFC000  }
0x95: {  	[tilespmem:s28], [sflag:$0x2] =	stream.indirect.gather [hbm4b:s1+s25], $0x80, s6, s25, $0xb8;
	[tilespmem:$0x1E080] =	vst v63  }
0x96: {  	_ =	swait.ge [sflag:s29], $0x4000  }
0x97: {  	[sflag:s29] =	ssyncset.done $0x0  }
0x98: {  	s3 =	simm.s32 $0x2700;
	[sflag:s29] =	ssyncadd.s32 $0xFFFFC000  }
0x99: {  	[spmem:s2] =	stream.indirect.scatter.add.f32 [tilespmem:s26], [sflag:$0x3], $0x80, s3, s25, $0xb8;
	[tilespmem:$0x1E080] =	vst v63  }
0x9a: {  	_ =	swait.ge [sflag:s31], $0x4000  }
0x9b: {  	[sflag:s31] =	ssyncset.done $0x0  }
0x9c: {  	s13 =	simm.s32 $0x2780;
	[sflag:s31] =	ssyncadd.s32 $0xFFFFC000  }
0x9d: {  	[spmem:s2] =	stream.indirect.scatter.add.f32 [tilespmem:s28], [sflag:$0x4], $0x80, s13, s25, $0xb8;
	[tilespmem:$0x1E080] =	vst v63  }
0x9e: {  	_ =	swait.ge [sflag:s30], $0x4000  }
0x9f: {  	[sflag:s30] =	ssyncset.done $0x0  }
0xa0: {  	[sflag:s30] =	ssyncadd.s32 $0xFFFFC000  }
0xa1: {  	_ =	swait.ge [sflag:s0], $0x4000  }
0xa2: {  	[sflag:s0] =	ssyncset.done $0x0  }
0xa3: {  	s15 =	simm.s32 $0x0;
	s16 =	rddreg [dreg:$0x8];
	[sflag:s0] =	ssyncadd.s32 $0xFFFFC000  }
0xa4: {  	[tilespmem:s15], [sflag:$0x5] =	stream.linear.gather [hbm4b:s16+s15], $0x1400, $0x38;
	[tilespmem:$0x1E080] =	vst v63  }
0xa5: {  	_ =	swait.ge [sflag:s23], $0x1400  }
0xa6: {  	[sflag:s23] =	ssyncset.done $0x0  }
0xa7: {  	s24 =	rddreg [dreg:$0x9];
	[sflag:s23] =	ssyncadd.s32 $0xFFFFEC00  }
0xa8: {  	[tilespmem:s8], [sflag:$0x5] =	stream.linear.gather [hbm4b:s24+s15], $0x1400, $0x38;
	[tilespmem:$0x1E080] =	vst v63  }
0xa9: {  	_ =	swait.ge [sflag:s23], $0x1400  }
0xaa: {  	[sflag:s23] =	ssyncset.done $0x0  }
0xab: {  	s3 =	simm.s32 $0x0;
	[sflag:s23] =	ssyncadd.s32 $0xFFFFEC00  }
0xac: {  	v3 =	vld [tilespmem:s3+$0x0]  }
0xad: {  	v4 =	vld [tilespmem:s3+$0x10]  }
0xae: {  	v6 =	vld [tilespmem:s3+$0x20]  }
0xaf: {  	v5 =	vld [tilespmem:s3+$0x30]  }
0xb0: {  	v2 =	vld [tilespmem:s3+$0x40]  }
0xb1: {  	v7 =	vshll.u32 v3, $0x1;
	v3 =	vld [tilespmem:s3+$0x50]  }
0xb2: {  	s6 =	simm.s32 $0x200;
	v8 =	vshll.u32 v4, $0x1;
	v4 =	vld [tilespmem:s3+$0x60];
	v7 =	vor.u32 v0, v7  }
.LBB2_8:
0xb3: {  	s7 =	sshra.s32 s6, $0x2;
	p1 =	sne.s32 s6, $0x4E00;
	[tilespmem:s3+$0x0] =	vst v7;
	v7 =	vor.u32 v0, v8;
	v6 =	vshll.u32 v6, $0x1;
	v8 =	vld [tilespmem:s3+$0x70]  }
0xb4: {  	v9 =	vld [tilespmem:s7+$0x0];
	[tilespmem:s3+$0x10] =	vst v7;
	v6 =	vor.u32 v0, v6;
	v5 =	vshll.u32 v5, $0x1  }
0xb5: {  	v10 =	vld [tilespmem:s7+$0x10];
	[tilespmem:s3+$0x20] =	vst v6;
	v5 =	vor.u32 v0, v5;
	v2 =	vshll.u32 v2, $0x1  }
.Ltmp3:
0xb6: {  	v6 =	vld [tilespmem:s7+$0x20];
	[tilespmem:s3+$0x30] =	vst v5;
	v2 =	vor.u32 v0, v2;
	v3 =	vshll.u32 v3, $0x1;
	(pc) =	sbr.rel @p1 .LBB2_8-.Ltmp3, $4  }
0xb7: {  	v5 =	vld [tilespmem:s7+$0x30];
	[tilespmem:s3+$0x40] =	vst v2;
	v3 =	vor.u32 v0, v3;
	v4 =	vshll.u32 v4, $0x1  }
0xb8: {  	v2 =	vld [tilespmem:s7+$0x40];
	[tilespmem:s3+$0x50] =	vst v3;
	v4 =	vor.u32 v0, v4;
	v7 =	vshll.u32 v8, $0x1  }
0xb9: {  	v8 =	vshll.u32 v9, $0x1;
	v3 =	vld [tilespmem:s7+$0x50];
	[tilespmem:s3+$0x60] =	vst v4;
	v9 =	vor.u32 v0, v7  }
0xba: {  	s6 =	sadd.s32 $0x200, s6;
	v7 =	vor.u32 v0, v8;
	v8 =	vshll.u32 v10, $0x1;
	v4 =	vld [tilespmem:s7+$0x60];
	[tilespmem:s3+$0x70] =	vst v9;
	s3 =	smov.u32 s7  }
0xbb: {  	[tilespmem:s3+$0x0] =	vst v7;
	v62 =	vor.u32 v0, v8;
	v6 =	vshll.u32 v6, $0x1;
	v63 =	vld [tilespmem:s3+$0x70]  }
0xbc: {  	[tilespmem:s3+$0x10] =	vst v62;
	v6 =	vor.u32 v0, v6;
	v5 =	vshll.u32 v5, $0x1  }
0xbd: {  	[tilespmem:s3+$0x20] =	vst v6;
	v5 =	vor.u32 v0, v5;
	v2 =	vshll.u32 v2, $0x1  }
0xbe: {  	[tilespmem:s3+$0x30] =	vst v5;
	v2 =	vor.u32 v0, v2;
	v3 =	vshll.u32 v3, $0x1  }
0xbf: {  	[tilespmem:s3+$0x40] =	vst v2;
	v2 =	vor.u32 v0, v3;
	v3 =	vshll.u32 v4, $0x1  }
0xc0: {  	[tilespmem:s3+$0x50] =	vst v2;
	v2 =	vor.u32 v0, v3;
	v3 =	vshll.u32 v63, $0x1  }
0xc1: {  	[tilespmem:s3+$0x60] =	vst v2;
	v2 =	vor.u32 v0, v3  }
0xc2: {  	s24 =	simm.s32 $0x0;
	p1 =	sle.u32 s10, $0x0;
	[tilespmem:s3+$0x70] =	vst v2  }
0xc3: {  	[tilespmem:s26], [sflag:$0x1] =	stream.indirect.gather [hbm4b:s1+s25], $0x80, s24, s25, $0xb8;
	[tilespmem:$0x1E080] =	vst v63  }
0xc4: {  	s3 =	simm.s32 @!p1 $0x1;
	p1 =	por p1, p1  }
0xc5: {  	[tilespmem:s28], [sflag:$0x2] =	stream.indirect.gather [hbm4b:s1+s25], $0x80, s25, s25, $0xb8;
	[tilespmem:$0x1E080] =	vst v63  }
0xc6: {  	s6 =	simm.s32 $0x1400;
	p2 =	sle.u32 s10, $0x2;
	_ =	swait.ge @!p1 [sflag:s3], $0x4000  }
0xc7: {  	p4 =	sle.u32 s10, $0x1;
	s8 =	simm.s32 @!p2 $0x3;
	[sflag:s3] =	ssyncset.done @!p1 $0x0  }
0xc8: {  	s7 =	simm.s32 @!p1 $0x2800;
	[sflag:s3] =	ssyncadd.s32 @!p1 $0xFFFFC000;
	s3 =	simm.s32 @!p1 $0x80  }
0xc9: {  	[spmem:s2] =	stream.indirect.scatter.add.f32 @!p1 [tilespmem:s7], [sflag:$0x3], $0x80, s6, s3, $0xb8;
	[tilespmem:$0x1E080] =	vst v63  }
0xca: {  	p3 =	sle.u32 s10, $0x3;
	s9 =	simm.s32 @!p4 $0x1480;
	_ =	swait.ge @!p2 [sflag:s8], $0x4000  }
0xcb: {  	s12 =	simm.s32 @!p3 $0x4;
	s3 =	simm.s32 $0x100;
	[sflag:s8] =	ssyncset.done @!p2 $0x0  }
0xcc: {  	s6 =	simm.s32 @!p2 $0x2800;
	s7 =	simm.s32 @!p2 $0x80;
	[sflag:s8] =	ssyncadd.s32 @!p2 $0xFFFFC000  }
0xcd: {  	[tilespmem:s6], [sflag:$0x1] =	stream.indirect.gather @!p2 [hbm4b:s1+s7], $0x80, s3, s7, $0xb8;
	[tilespmem:$0x1E080] =	vst v63  }
0xce: {  	s13 =	simm.s32 @!p3 $0x80;
	s15 =	simm.s32 @!p3 $0x6800;
	s3 =	simm.s32 @!p4 $0x2  }
0xcf: {  	s24 =	simm.s32 @!p3 $0x180;
	p1 =	sle.u32 s10, $0x2;
	_ =	swait.ge @!p4 [sflag:s3], $0x4000  }
0xd0: {  	s11 =	simm.s32 @!p1 $0x1;
	s8 =	simm.s32 $0x4;
	[sflag:s3] =	ssyncset.done @!p4 $0x0  }
0xd1: {  	s7 =	simm.s32 @!p4 $0x80;
	[sflag:s3] =	ssyncadd.s32 @!p4 $0xFFFFC000;
	s3 =	simm.s32 @!p4 $0x6800  }
0xd2: {  	[spmem:s2] =	stream.indirect.scatter.add.f32 @!p4 [tilespmem:s3], [sflag:$0x4], $0x80, s9, s7, $0xb8;
	[tilespmem:$0x1E080] =	vst v63  }
0xd3: {  	s6 =	simm.s32 $0x2;
	s3 =	simm.s32 $0x200;
	_ =	swait.ge @!p3 [sflag:s12], $0x4000  }
0xd4: {  	s7 =	simm.s32 $0x1500;
	s9 =	simm.s32 $0x4;
	[sflag:s12] =	ssyncset.done @!p3 $0x0  }
.LBB2_10:
0xd5: {  	[sflag:s12] =	ssyncadd.s32 @!p3 $0xFFFFC000  }
0xd6: {  	s12 =	smov.u32 s6;
	s6 =	smov.u32 s8;
	s16 =	smov.u32 s3  }
0xd7: {  	p4 =	por p1, p1;
	p1 =	sge.u32 s8, s10;
	s8 =	sadd.s32 $0x2, s8  }
0xd8: {  	[tilespmem:s15], [sflag:$0x2] =	stream.indirect.gather @!p3 [hbm4b:s1+s13], $0x80, s24, s13, $0xb8;
	[tilespmem:$0x1E080] =	vst v63  }
0xd9: {  	p2 =	sne.s32 s8, $0x28;
	s13 =	smov.u32 s7;
	_ =	swait.ge @!p4 [sflag:s11], $0x4000  }
0xda: {  	s15 =	simm.s32 @!p4 $0x2800;
	p3 =	sge.u32 s9, s10;
	[sflag:s11] =	ssyncset.done @!p4 $0x0  }
0xdb: {  	s9 =	simm.s32 @!p4 $0x80;
	[sflag:s11] =	ssyncadd.s32 @!p4 $0xFFFFC000;
	s11 =	simm.s32 @!p3 $0x3  }
0xdc: {  	[spmem:s2] =	stream.indirect.scatter.add.f32 @!p4 [tilespmem:s15], [sflag:$0x3], $0x80, s7, s9, $0xb8;
	[tilespmem:$0x1E080] =	vst v63  }
0xdd: {  	s3 =	sadd.s32 $0x100, s3;
	s9 =	smov.u32 s8;
	_ =	swait.ge @!p3 [sflag:s11], $0x4000  }
0xde: {  	s24 =	sadd.s32 $0x1, s12;
	s15 =	simm.s32 @!p3 $0x2800;
	[sflag:s11] =	ssyncset.done @!p3 $0x0  }
0xdf: {  	p4 =	sge.u32 s24, s10;
	[sflag:s11] =	ssyncadd.s32 @!p3 $0xFFFFC000;
	s11 =	simm.s32 @!p3 $0x80  }
0xe0: {  	[tilespmem:s15], [sflag:$0x1] =	stream.indirect.gather @!p3 [hbm4b:s1+s11], $0x80, s16, s11, $0xb8;
	[tilespmem:$0x1E080] =	vst v63  }
0xe1: {  	s12 =	sadd.s32 $0x3, s12;
	s7 =	sadd.s32 $0x100, s7;
	s11 =	simm.s32 @!p4 $0x2  }
0xe2: {  	s15 =	simm.s32 @!p4 $0x80;
	p3 =	sge.u32 s12, s10;
	_ =	swait.ge @!p4 [sflag:s11], $0x4000  }
.Ltmp4:
0xe3: {  	s13 =	sadd.s32 @!p4 $0x80, s13;
	[sflag:s11] =	ssyncset.done @!p4 $0x0;
	(pc) =	sbr.rel @p2 .LBB2_10-.Ltmp4, $4  }
0xe4: {  	s12 =	simm.s32 @!p3 $0x4;
	[sflag:s11] =	ssyncadd.s32 @!p4 $0xFFFFC000;
	s11 =	simm.s32 @!p4 $0x6800  }
0xe5: {  	[spmem:s2] =	stream.indirect.scatter.add.f32 @!p4 [tilespmem:s11], [sflag:$0x4], $0x80, s13, s15, $0xb8;
	[tilespmem:$0x1E080] =	vst v63  }
0xe6: {  	s13 =	simm.s32 @!p3 $0x80;
	s15 =	simm.s32 @!p3 $0x6800;
	_ =	swait.ge @!p3 [sflag:s12], $0x4000  }
0xe7: {  	s24 =	sadd.s32 @!p3 $0x80, s16;
	s11 =	simm.s32 @!p1 $0x1;
	[sflag:s12] =	ssyncset.done @!p3 $0x0  }
0xe8: {  	[sflag:s12] =	ssyncadd.s32 @!p3 $0xFFFFC000;
	p1 =	por p1, p1  }
0xe9: {  	[tilespmem:s15], [sflag:$0x2] =	stream.indirect.gather @!p3 [hbm4b:s1+s13], $0x80, s24, s13, $0xb8;
	[tilespmem:$0x1E080] =	vst v63  }
0xea: {  	_ =	swait.ge @!p1 [sflag:s11], $0x4000  }
0xeb: {  	p2 =	sge.u32 s9, s10;
	s8 =	simm.s32 @!p1 $0x2800;
	[sflag:s11] =	ssyncset.done @!p1 $0x0  }
0xec: {  	s9 =	simm.s32 @!p1 $0x80;
	[sflag:s11] =	ssyncadd.s32 @!p1 $0xFFFFC000;
	s11 =	simm.s32 @!p2 $0x3  }
0xed: {  	[spmem:s2] =	stream.indirect.scatter.add.f32 @!p1 [tilespmem:s8], [sflag:$0x3], $0x80, s7, s9, $0xb8;
	[tilespmem:$0x1E080] =	vst v63  }
0xee: {  	_ =	swait.ge @!p2 [sflag:s11], $0x4000  }
0xef: {  	s16 =	sadd.s32 $0x1, s6;
	s8 =	simm.s32 @!p2 $0x2800;
	[sflag:s11] =	ssyncset.done @!p2 $0x0  }
0xf0: {  	p1 =	sge.u32 s16, s10;
	[sflag:s11] =	ssyncadd.s32 @!p2 $0xFFFFC000;
	s11 =	simm.s32 @!p2 $0x80  }
0xf1: {  	[tilespmem:s8], [sflag:$0x1] =	stream.indirect.gather @!p2 [hbm4b:s1+s11], $0x80, s3, s11, $0xb8;
	[tilespmem:$0x1E080] =	vst v63  }
0xf2: {  	s8 =	simm.s32 @!p1 $0x2  }
0xf3: {  	s24 =	sadd.s32 $0x3, s6;
	s9 =	simm.s32 @!p1 $0x80;
	_ =	swait.ge @!p1 [sflag:s8], $0x4000  }
0xf4: {  	s6 =	sadd.s32 @!p1 $0x80, s7;
	p2 =	sge.u32 s24, s10;
	[sflag:s8] =	ssyncset.done @!p1 $0x0  }
0xf5: {  	s7 =	simm.s32 @!p1 $0x6800;
	[sflag:s8] =	ssyncadd.s32 @!p1 $0xFFFFC000;
	s8 =	simm.s32 @!p2 $0x4  }
0xf6: {  	[spmem:s2] =	stream.indirect.scatter.add.f32 @!p1 [tilespmem:s7], [sflag:$0x4], $0x80, s6, s9, $0xb8;
	[tilespmem:$0x1E080] =	vst v63  }
0xf7: {  	_ =	swait.ge @!p2 [sflag:s8], $0x4000  }
0xf8: {  	s3 =	sadd.s32 @!p2 $0x80, s3;
	[sflag:s8] =	ssyncset.done @!p2 $0x0  }
0xf9: {  	s6 =	simm.s32 @!p2 $0x80;
	s7 =	simm.s32 @!p2 $0x6800;
	[sflag:s8] =	ssyncadd.s32 @!p2 $0xFFFFC000  }
0xfa: {  	[tilespmem:s7], [sflag:$0x2] =	stream.indirect.gather @!p2 [hbm4b:s1+s6], $0x80, s3, s6, $0xb8;
	[tilespmem:$0x1E080] =	vst v63  }
0xfb: {  	_ =	swait.ge [sflag:s30], $0x4000  }
0xfc: {  	[sflag:s30] =	ssyncset.done $0x0  }
0xfd: {  	[sflag:s30] =	ssyncadd.s32 $0xFFFFC000  }
0xfe: {  	_ =	swait.ge [sflag:s0], $0x4000  }
0xff: {  	s4 =	sadd.s32 $0x1, s4;
	[sflag:s0] =	ssyncset.done $0x0  }
0x100: {  	s9 =	simm.s32 @p0 $0x1FC5;
	p1 =	sne.s32 s4, s19;
	[sflag:s0] =	ssyncadd.s32 $0xFFFFC000  }
0x101: {  	s8 =	simm.s32 @p0 $0x80;
	s3 =	sshrl.u32 @p0 s14, $0x3;
	[bflag:$0x0] =	sbarrier.arrive $0xFFFF  }
0x102: {  	s6 =	simm.s32 @p0 $0x8;
	s7 =	simm.s32 @p0 $0x100;
	s11 =	rddreg [dreg:$0xb]  }
0x103: {  	[hbm:s11@s7], [sflag:s9] =	dma.strided @p0 [spmem:s3@s8], $0x2080, s6, $0x10   }
0x104: {  	s3 =	simm.s32 @p0 $0x5;
	s6 =	stileid.u32;
	s7 =	simm.s32 @!p0 $0x8  }
0x105: {  	s8 =	simm.s32 @!p0 $0x100;
	s9 =	simm.s32 @!p0 $0x80;
	_ =	swait.ge @p0 [sflag:s3], $0x2080  }
0x106: {  	s6 =	sshll.u32 @!p0 s6, $0x6;
	[sflag:s3] =	ssyncset.done @p0 $0x0;
	s11 =	rddreg [dreg:$0xa]  }
0x107: {  	[sflag:s3] =	ssyncadd.s32 @p0 $0xFFFFDF80;
	s3 =	sor.u32 @!p0 $0x1C05, s6;
	s6 =	sshrl.u32 @!p0 s5, $0x3  }
0x108: {  	[hbm:s11@s8], [sflag:s3] =	dma.strided @!p0 [spmem:s6@s9], $0x2780, s7, $0x10   }
.Ltmp5:
0x109: {  	_ = 	snop;
	(pc) =	sbr.rel @p1 .LBB2_1-.Ltmp5, $4  }
0x10a: {  	s3 =	simm.s32 @!p0 $0x5  }
0x10b: {  	_ =	swait.ge @!p0 [sflag:s3], $0x2780  }
0x10c: {  	[sflag:s3] =	ssyncset.done @!p0 $0x0  }
0x10d: {  	s8 =	simm.s32 $0x1400;
	[sflag:s3] =	ssyncadd.s32 @!p0 $0xFFFFD880  }
0x10e: {  	_ =	sfence.sel $0x180000  }
0x10f: {  	[bflag:$0x0] =	sbarrier.arrive $0xFFFF  }
0x110: {  	_ =	strace $0x9000004A  }
0x111: {  	s0 =	stileid.u32;
	[bflag:$0x2] =	sbarrier.arrive $0xFFFF  }
0x112: {  	p0 =	sne.s32 s0, $0x0;
	s0 =	rddreg [dreg:$0x3]  }
0x113: {  	s0 =	sadd.s32 @!p0 $0x100000, s0  }
0x114: {  	[sflag:s0] =	ssyncadd.tile.s32 @!p0 $0x1;
	_ =	shalt  }
.Lfunc_end2:
_tile_overlayer_lowered:
.L_overlay_start_2:
0x115: {  	(tag) =	ssettag $0x2  }
0x116: {  	s0 =	rddreg [dreg:$0x0];
	s2 =	stileid.u32  }
0x117: {  	s1 =	rddreg [dreg:$0x1];
	p0 =	sne.s32 s2, $0x0  }
0x118: {  	s3 =	rddreg [dreg:$0x2];
	[bflag:$0x3] =	sbarrier.arrive $0xFFFF;
	s2 =	simm.s32 @!p0 $0x1C05  }
0x119: {  	[timem:s3], [sflag:s2] =	dma.local @!p0 [hbm:s0], s1  }
0x11a: {  	s0 =	simm.s32 @!p0 $0x5  }
0x11b: {  	_ =	swait.ge @!p0 [sflag:s0], s1  }
0x11c: {  	s1 =	ssub.s32 @!p0 $0x0, s1;
	[sflag:s0] =	ssyncset.done @!p0 $0x0  }
0x11d: {  	[sflag:s0] =	ssyncadd.s32 @!p0 s1  }
0x11e: {  	[bflag:$0x3] =	sbarrier.arrive $0xFFFF  }
0x11f: {  	_ =	shalt  }

</sc_bundles>
